<compile_context>
chip_gen: v7x
topology: tpu7x:2x2x1
jax: 0.10.2.dev20260603
libtpu: 0.0.44.dev20260713+nightly
codegen_flags: <defaults>
</compile_context>

<pallas_src>
import functools

import jax
import jax.numpy as jnp
from jax import lax
from jax.experimental import pallas as pl
from jax.experimental.pallas import tpu as pltpu
from jax.experimental.pallas import tpu_sc as plsc

_B = 16
_N = 256
_TOTAL = _B * _N
_F = 15
_NC, _NS = 2, 16
_NW = _NC * _NS
_OPW = _TOTAL // _NW
_G = _OPW // 16

_REL = _B * _N * _N * 4
_REL_PW = _REL // _NW
_CH = 32768
_NCH = _REL_PW // _CH
_NB = 3

_mesh = plsc.VectorSubcoreMesh(
    core_axis_name="c", subcore_axis_name="s",
    num_cores=_NC, num_subcores=_NS)


@functools.partial(
    pl.kernel,
    out_type=(
        jax.ShapeDtypeStruct((_F, 32, 128), jnp.float32),
        jax.ShapeDtypeStruct((_REL,), jnp.float32),
    ),
    mesh=_mesh,
    compiler_params=pltpu.CompilerParams(needs_layout_passes=False),
    scratch_types=[
        pltpu.VMEM((_OPW,), jnp.int32),
        pltpu.VMEM((_OPW,), jnp.int32),
        pltpu.VMEM((_OPW,), jnp.int32),
        pltpu.VMEM((_OPW,), jnp.int32),
        pltpu.VMEM((_B,), jnp.int32),
        pltpu.VMEM((_F, _OPW), jnp.float32),
        [pltpu.VMEM((_CH,), jnp.float32) for _ in range(_NB)],
        pltpu.SemaphoreType.DMA,
        pltpu.SemaphoreType.DMA,
        pltpu.SemaphoreType.DMA,
        pltpu.SemaphoreType.DMA,
    ],
)
def _scene_gt_sc(col_hbm, mat_hbm, shp_hbm, siz_hbm, len_hbm, rel_hbm,
                 out_hbm, relo_hbm,
                 c_v, m_v, s_v, z_v, len_v, out_v, rbufs,
                 isem, osem, gsem, ssem):
    wid = lax.axis_index("s") * _NC + lax.axis_index("c")

    rbase = wid * _REL_PW
    gh = {}
    sh = {}
    for k in range(_NB):
        gh[k] = pltpu.async_copy(
            rel_hbm.at[pl.ds(rbase + k * _CH, _CH)], rbufs[k], gsem)

    base = wid * _OPW
    cps = [
        pltpu.async_copy(col_hbm.at[pl.ds(base, _OPW)], c_v, isem),
        pltpu.async_copy(mat_hbm.at[pl.ds(base, _OPW)], m_v, isem),
        pltpu.async_copy(shp_hbm.at[pl.ds(base, _OPW)], s_v, isem),
        pltpu.async_copy(siz_hbm.at[pl.ds(base, _OPW)], z_v, isem),
        pltpu.async_copy(len_hbm, len_v, isem),
    ]

    iota = lax.iota(jnp.int32, 16)
    zeros16 = jnp.zeros((16,), jnp.float32)
    ones16 = jnp.ones((16,), jnp.float32)
    for k in range(_F):
        for c8 in range(_OPW // 16):
            out_v[k, pl.ds(c8 * 16, 16)] = zeros16

    for cp in cps:
        cp.wait()

    scene = wid // 2
    len_scene = plsc.load_gather(len_v, [jnp.full((16,), scene, jnp.int32)])
    halfpos = (wid % 2) * _OPW

    for g in range(_G):
        sl = pl.ds(g * 16, 16)
        pos = halfpos + g * 16 + iota
        ones = jnp.where(pos < len_scene, ones16, zeros16)
        nloc = g * 16 + iota
        plsc.store_scatter(out_v, [c_v[sl] - 10, nloc], ones)
        plsc.store_scatter(out_v, [m_v[sl] - 12, nloc], ones)
        plsc.store_scatter(out_v, [s_v[sl] - 20, nloc], ones)
        plsc.store_scatter(out_v, [z_v[sl] - 27, nloc], ones)

    b = wid // 2
    r = (b // 8) * 16 + (wid % 2) * 8 + (b % 8)
    ocp = pltpu.async_copy(out_v, out_hbm.at[:, r, :], osem)

    for k in range(_NCH):
        gh[k].wait()
        sh[k] = pltpu.async_copy(
            rbufs[k % _NB], relo_hbm.at[pl.ds(rbase + k * _CH, _CH)], ssem)
        nk = k + _NB
        if nk < _NCH:
            sh[k].wait()
            gh[nk] = pltpu.async_copy(
                rel_hbm.at[pl.ds(rbase + nk * _CH, _CH)], rbufs[k % _NB], gsem)
    for k in range(max(0, _NCH - _NB), _NCH):
        sh[k].wait()
    ocp.wait()


def kernel(input, objects, objects_length, objects_color, objects_material,
           objects_shape, objects_size, relations_spatial_relation):
    rel_flat = (relations_spatial_relation
                .reshape(_B * _N * _N // 128, 128, 4)
                .transpose(0, 2, 1)
                .reshape(_REL))
    obj3, relo = _scene_gt_sc(objects_color, objects_material, objects_shape,
                              objects_size, objects_length, rel_flat)
    obj = (obj3.reshape(_F, 2, 2, 8, 128)
           .transpose(1, 3, 2, 4, 0)
           .reshape(_B, _N, _F))
    rel = (relo.reshape(_B * _N * _N // 128, 4, 128)
           .transpose(0, 2, 1)
           .reshape(_B, _N, _N, 4))
    return (obj, rel)

# --- scband reference (transcript-rebuilt; emitter-appended) ---
"""Pipeline reference for scband-scene-graph-groundtruth-11605001634427 (READ-ONLY COPY).

The authoritative reference and input builder live on the scoring server;
editing this copy changes nothing except your own understanding.
"""

import jax, jax.numpy as jnp
import numpy as np

B = 16
N = 256
VOCAB = 48
D_IN = 256
ATTR_SPECS = [("color", 10, 8), ("material", 20, 2), ("shape", 30, 3), ("size", 40, 2)]


def _build_g2l():
    g2l = np.zeros(VOCAB, dtype=np.int32)
    for _, start, n in ATTR_SPECS:
        g2l[start:start + n] = np.arange(n, dtype=np.int32)
    return jnp.asarray(g2l)


def setup_inputs(seed: int = 0):
    key = jax.random.key(seed)
    ks = jax.random.split(key, 8)
    total_obj = B * N
    total_rel = B * N * N
    inp = {}
    inp["input"] = jax.random.normal(ks[0], (B, D_IN), dtype=jnp.float32)
    inp["objects"] = jax.random.normal(ks[1], (total_obj, D_IN), dtype=jnp.float32)
    inp["objects_length"] = jnp.full((B,), N, dtype=jnp.int32)
    inp["objects_color"] = 10 + jax.random.randint(ks[2], (total_obj,), 0, 8, dtype=jnp.int32)
    inp["objects_material"] = 20 + jax.random.randint(ks[3], (total_obj,), 0, 2, dtype=jnp.int32)
    inp["objects_shape"] = 30 + jax.random.randint(ks[4], (total_obj,), 0, 3, dtype=jnp.int32)
    inp["objects_size"] = 40 + jax.random.randint(ks[5], (total_obj,), 0, 2, dtype=jnp.int32)
    inp["relations_spatial_relation"] = jax.random.normal(ks[6], (total_rel, 4), dtype=jnp.float32)
    return inp


def reference(input, objects, objects_length, objects_color, objects_material, objects_shape, objects_size, relations_spatial_relation):
    g2l = _build_g2l()
    attrs = [(objects_color, 8), (objects_material, 2), (objects_shape, 3), (objects_size, 2)]
    obj_outs = []
    rel_outs = []
    n = objects.shape[0] // input.shape[0]
    for i in range(input.shape[0]):
        obj_idx = i * n
        rel_idx = i * n * n
        feats = []
        for vals, depth in attrs:
            v = vals[obj_idx:obj_idx + n]
            mv = g2l[v]
            feats.append(jax.nn.one_hot(mv, depth, dtype=jnp.float32))
        object_features = jnp.concatenate(feats, axis=-1)
        valid = (jnp.arange(n) < objects_length[i])[:, None]
        object_features = jnp.where(valid, object_features, jnp.zeros_like(object_features))
        relation_features = relations_spatial_relation[rel_idx:rel_idx + n * n].astype(jnp.float32).reshape(n, n, 4)
        obj_outs.append(object_features)
        rel_outs.append(relation_features)
    return (jnp.stack(obj_outs), jnp.stack(rel_outs))

if __name__ == "__main__":
    import jax
    _d = setup_inputs()
    print(jax.jit(kernel)(*tuple(_d.values())))

</pallas_src>

<mosaic_0001>
#map = affine_map<(d0, d1) -> (0)>
#map1 = affine_map<(d0, d1) -> (0, 0, 0)>
module attributes {stable_mosaic.version = 14 : i64} {
  func.func @_scene_gt_sc(%arg0: i32, %arg1: i32, %arg2: memref<4096xi32, #tpu.memory_space<hbm>>, %arg3: memref<4096xi32, #tpu.memory_space<hbm>>, %arg4: memref<4096xi32, #tpu.memory_space<hbm>>, %arg5: memref<4096xi32, #tpu.memory_space<hbm>>, %arg6: memref<16xi32, #tpu.memory_space<hbm>>, %arg7: memref<4194304xf32, #tpu.memory_space<hbm>>, %arg8: memref<15x32x128xf32, #tpu.memory_space<hbm>>, %arg9: memref<4194304xf32, #tpu.memory_space<hbm>>, %arg10: memref<128xi32, #tpu.memory_space<vmem>>, %arg11: memref<128xi32, #tpu.memory_space<vmem>>, %arg12: memref<128xi32, #tpu.memory_space<vmem>>, %arg13: memref<128xi32, #tpu.memory_space<vmem>>, %arg14: memref<16xi32, #tpu.memory_space<vmem>>, %arg15: memref<15x128xf32, #tpu.memory_space<vmem>>, %arg16: memref<32768xf32, #tpu.memory_space<vmem>>, %arg17: memref<32768xf32, #tpu.memory_space<vmem>>, %arg18: memref<32768xf32, #tpu.memory_space<vmem>>, %arg19: memref<!tpu.dma_semaphore, #tpu.memory_space<semaphore_mem>>, %arg20: memref<!tpu.dma_semaphore, #tpu.memory_space<semaphore_mem>>, %arg21: memref<!tpu.dma_semaphore, #tpu.memory_space<semaphore_mem>>, %arg22: memref<!tpu.dma_semaphore, #tpu.memory_space<semaphore_mem>>) attributes {dimension_semantics = [#tpu.dimension_semantics<core_parallel>, #tpu.dimension_semantics<subcore_parallel>], iteration_bounds = array<i64: 2, 16>, scalar_prefetch = 0 : i64, scratch_operands = 13 : i64, tpu.core_type = #tpu.core_type<sc_vector_subcore>, window_params = [{transform_indices = #map}, {transform_indices = #map}, {transform_indices = #map}, {transform_indices = #map}, {transform_indices = #map}, {transform_indices = #map}, {transform_indices = #map1}, {transform_indices = #map}]} {
    %mul3A = arith.constant 2 : i32
    %mul3A_0 = arith.muli %arg1, %mul3A : i32
    %add3A = arith.addi %mul3A_0, %arg0 : i32
    %mul3A_1 = arith.constant 131072 : i32
    %mul3A_2 = arith.muli %add3A, %mul3A_1 : i32
    %add3A_3 = arith.constant 0 : i32
    %add3A_4 = arith.addi %mul3A_2, %add3A_3 : i32
    %dma_start3A = tpu.memref_slice %arg7[%add3A_4] : memref<4194304xf32, #tpu.memory_space<hbm>> -> memref<32768xf32, #tpu.memory_space<hbm>>
    %dma_start3A_5 = tpu.memref_slice %arg7[%add3A_4] : memref<4194304xf32, #tpu.memory_space<hbm>> -> memref<32768xf32, #tpu.memory_space<hbm>>
    tpu.enqueue_dma source(%dma_start3A_5 : memref<32768xf32, #tpu.memory_space<hbm>>) target(%arg16 : memref<32768xf32, #tpu.memory_space<vmem>>) target_semaphore(%arg21 : memref<!tpu.dma_semaphore, #tpu.memory_space<semaphore_mem>>)
    %add3A_6 = arith.constant 32768 : i32
    %add3A_7 = arith.addi %mul3A_2, %add3A_6 : i32
    %dma_start3A_8 = tpu.memref_slice %arg7[%add3A_7] : memref<4194304xf32, #tpu.memory_space<hbm>> -> memref<32768xf32, #tpu.memory_space<hbm>>
    %dma_start3A_9 = tpu.memref_slice %arg7[%add3A_7] : memref<4194304xf32, #tpu.memory_space<hbm>> -> memref<32768xf32, #tpu.memory_space<hbm>>
    tpu.enqueue_dma source(%dma_start3A_9 : memref<32768xf32, #tpu.memory_space<hbm>>) target(%arg17 : memref<32768xf32, #tpu.memory_space<vmem>>) target_semaphore(%arg21 : memref<!tpu.dma_semaphore, #tpu.memory_space<semaphore_mem>>)
    %add3A_10 = arith.constant 65536 : i32
    %add3A_11 = arith.addi %mul3A_2, %add3A_10 : i32
    %dma_start3A_12 = tpu.memref_slice %arg7[%add3A_11] : memref<4194304xf32, #tpu.memory_space<hbm>> -> memref<32768xf32, #tpu.memory_space<hbm>>
    %dma_start3A_13 = tpu.memref_slice %arg7[%add3A_11] : memref<4194304xf32, #tpu.memory_space<hbm>> -> memref<32768xf32, #tpu.memory_space<hbm>>
    tpu.enqueue_dma source(%dma_start3A_13 : memref<32768xf32, #tpu.memory_space<hbm>>) target(%arg18 : memref<32768xf32, #tpu.memory_space<vmem>>) target_semaphore(%arg21 : memref<!tpu.dma_semaphore, #tpu.memory_space<semaphore_mem>>)
    %mul3A_14 = arith.constant 128 : i32
    %mul3A_15 = arith.muli %add3A, %mul3A_14 : i32
    %dma_start3A_16 = tpu.memref_slice %arg2[%mul3A_15] : memref<4096xi32, #tpu.memory_space<hbm>> -> memref<128xi32, #tpu.memory_space<hbm>>
    %dma_start3A_17 = tpu.memref_slice %arg2[%mul3A_15] : memref<4096xi32, #tpu.memory_space<hbm>> -> memref<128xi32, #tpu.memory_space<hbm>>
    tpu.enqueue_dma source(%dma_start3A_17 : memref<128xi32, #tpu.memory_space<hbm>>) target(%arg10 : memref<128xi32, #tpu.memory_space<vmem>>) target_semaphore(%arg19 : memref<!tpu.dma_semaphore, #tpu.memory_space<semaphore_mem>>)
    %dma_start3A_18 = tpu.memref_slice %arg3[%mul3A_15] : memref<4096xi32, #tpu.memory_space<hbm>> -> memref<128xi32, #tpu.memory_space<hbm>>
    %dma_start3A_19 = tpu.memref_slice %arg3[%mul3A_15] : memref<4096xi32, #tpu.memory_space<hbm>> -> memref<128xi32, #tpu.memory_space<hbm>>
    tpu.enqueue_dma source(%dma_start3A_19 : memref<128xi32, #tpu.memory_space<hbm>>) target(%arg11 : memref<128xi32, #tpu.memory_space<vmem>>) target_semaphore(%arg19 : memref<!tpu.dma_semaphore, #tpu.memory_space<semaphore_mem>>)
    %dma_start3A_20 = tpu.memref_slice %arg4[%mul3A_15] : memref<4096xi32, #tpu.memory_space<hbm>> -> memref<128xi32, #tpu.memory_space<hbm>>
    %dma_start3A_21 = tpu.memref_slice %arg4[%mul3A_15] : memref<4096xi32, #tpu.memory_space<hbm>> -> memref<128xi32, #tpu.memory_space<hbm>>
    tpu.enqueue_dma source(%dma_start3A_21 : memref<128xi32, #tpu.memory_space<hbm>>) target(%arg12 : memref<128xi32, #tpu.memory_space<vmem>>) target_semaphore(%arg19 : memref<!tpu.dma_semaphore, #tpu.memory_space<semaphore_mem>>)
    %dma_start3A_22 = tpu.memref_slice %arg5[%mul3A_15] : memref<4096xi32, #tpu.memory_space<hbm>> -> memref<128xi32, #tpu.memory_space<hbm>>
    %dma_start3A_23 = tpu.memref_slice %arg5[%mul3A_15] : memref<4096xi32, #tpu.memory_space<hbm>> -> memref<128xi32, #tpu.memory_space<hbm>>
    tpu.enqueue_dma source(%dma_start3A_23 : memref<128xi32, #tpu.memory_space<hbm>>) target(%arg13 : memref<128xi32, #tpu.memory_space<vmem>>) target_semaphore(%arg19 : memref<!tpu.dma_semaphore, #tpu.memory_space<semaphore_mem>>)
    tpu.enqueue_dma source(%arg6 : memref<16xi32, #tpu.memory_space<hbm>>) target(%arg14 : memref<16xi32, #tpu.memory_space<vmem>>) target_semaphore(%arg19 : memref<!tpu.dma_semaphore, #tpu.memory_space<semaphore_mem>>)
    %iota3A = tpu.iota {dimensions = array<i32: 0>} : vector<16xi32>
    %broadcast_in_dim3A = arith.constant 0.000000e+00 : f32
    %broadcast_in_dim3A_24 = vector.broadcast %broadcast_in_dim3A : f32 to vector<16xf32>
    %broadcast_in_dim3A_25 = arith.constant 1.000000e+00 : f32
    %broadcast_in_dim3A_26 = vector.broadcast %broadcast_in_dim3A_25 : f32 to vector<16xf32>
    %swap3A = arith.constant 0 : i32
    %swap3A_27 = arith.index_cast %swap3A : i32 to index
    %swap3A_28 = arith.constant 0 : index
    %swap3A_29 = tpu.vector_load %arg15[%swap3A_27, %swap3A_28] {strides = array<i32>} : memref<15x128xf32, #tpu.memory_space<vmem>>, vector<16xf32>,
    tpu.vector_store %arg15[%swap3A_27, %swap3A_28], %broadcast_in_dim3A_24 {strides = array<i32>} : memref<15x128xf32, #tpu.memory_space<vmem>>, vector<16xf32>,
    %swap3A_30 = arith.constant 0 : i32
    %swap3A_31 = arith.index_cast %swap3A_30 : i32 to index
    %swap3A_32 = arith.constant 16 : index
    %swap3A_33 = tpu.vector_load %arg15[%swap3A_31, %swap3A_32] {strides = array<i32>} : memref<15x128xf32, #tpu.memory_space<vmem>>, vector<16xf32>,
    tpu.vector_store %arg15[%swap3A_31, %swap3A_32], %broadcast_in_dim3A_24 {strides = array<i32>} : memref<15x128xf32, #tpu.memory_space<vmem>>, vector<16xf32>,
    %swap3A_34 = arith.constant 0 : i32
    %swap3A_35 = arith.index_cast %swap3A_34 : i32 to index
    %swap3A_36 = arith.constant 32 : index
    %swap3A_37 = tpu.vector_load %arg15[%swap3A_35, %swap3A_36] {strides = array<i32>} : memref<15x128xf32, #tpu.memory_space<vmem>>, vector<16xf32>,
    tpu.vector_store %arg15[%swap3A_35, %swap3A_36], %broadcast_in_dim3A_24 {strides = array<i32>} : memref<15x128xf32, #tpu.memory_space<vmem>>, vector<16xf32>,
    %swap3A_38 = arith.constant 0 : i32
    %swap3A_39 = arith.index_cast %swap3A_38 : i32 to index
    %swap3A_40 = arith.constant 48 : index
    %swap3A_41 = tpu.vector_load %arg15[%swap3A_39, %swap3A_40] {strides = array<i32>} : memref<15x128xf32, #tpu.memory_space<vmem>>, vector<16xf32>,
    tpu.vector_store %arg15[%swap3A_39, %swap3A_40], %broadcast_in_dim3A_24 {strides = array<i32>} : memref<15x128xf32, #tpu.memory_space<vmem>>, vector<16xf32>,
    %swap3A_42 = arith.constant 0 : i32
    %swap3A_43 = arith.index_cast %swap3A_42 : i32 to index
    %swap3A_44 = arith.constant 64 : index
    %swap3A_45 = tpu.vector_load %arg15[%swap3A_43, %swap3A_44] {strides = array<i32>} : memref<15x128xf32, #tpu.memory_space<vmem>>, vector<16xf32>,
    tpu.vector_store %arg15[%swap3A_43, %swap3A_44], %broadcast_in_dim3A_24 {strides = array<i32>} : memref<15x128xf32, #tpu.memory_space<vmem>>, vector<16xf32>,
    %swap3A_46 = arith.constant 0 : i32
    %swap3A_47 = arith.index_cast %swap3A_46 : i32 to index
    %swap3A_48 = arith.constant 80 : index
    %swap3A_49 = tpu.vector_load %arg15[%swap3A_47, %swap3A_48] {strides = array<i32>} : memref<15x128xf32, #tpu.memory_space<vmem>>, vector<16xf32>,
    tpu.vector_store %arg15[%swap3A_47, %swap3A_48], %broadcast_in_dim3A_24 {strides = array<i32>} : memref<15x128xf32, #tpu.memory_space<vmem>>, vector<16xf32>,
    %swap3A_50 = arith.constant 0 : i32
    %swap3A_51 = arith.index_cast %swap3A_50 : i32 to index
    %swap3A_52 = arith.constant 96 : index
    %swap3A_53 = tpu.vector_load %arg15[%swap3A_51, %swap3A_52] {strides = array<i32>} : memref<15x128xf32, #tpu.memory_space<vmem>>, vector<16xf32>,
    tpu.vector_store %arg15[%swap3A_51, %swap3A_52], %broadcast_in_dim3A_24 {strides = array<i32>} : memref<15x128xf32, #tpu.memory_space<vmem>>, vector<16xf32>,
    %swap3A_54 = arith.constant 0 : i32
    %swap3A_55 = arith.index_cast %swap3A_54 : i32 to index
    %swap3A_56 = arith.constant 112 : index
    %swap3A_57 = tpu.vector_load %arg15[%swap3A_55, %swap3A_56] {strides = array<i32>} : memref<15x128xf32, #tpu.memory_space<vmem>>, vector<16xf32>,
    tpu.vector_store %arg15[%swap3A_55, %swap3A_56], %broadcast_in_dim3A_24 {strides = array<i32>} : memref<15x128xf32, #tpu.memory_space<vmem>>, vector<16xf32>,
    %swap3A_58 = arith.constant 1 : i32
    %swap3A_59 = arith.index_cast %swap3A_58 : i32 to index
    %swap3A_60 = arith.constant 0 : index
    %swap3A_61 = tpu.vector_load %arg15[%swap3A_59, %swap3A_60] {strides = array<i32>} : memref<15x128xf32, #tpu.memory_space<vmem>>, vector<16xf32>,
    tpu.vector_store %arg15[%swap3A_59, %swap3A_60], %broadcast_in_dim3A_24 {strides = array<i32>} : memref<15x128xf32, #tpu.memory_space<vmem>>, vector<16xf32>,
    %swap3A_62 = arith.constant 1 : i32
    %swap3A_63 = arith.index_cast %swap3A_62 : i32 to index
    %swap3A_64 = arith.constant 16 : index
    %swap3A_65 = tpu.vector_load %arg15[%swap3A_63, %swap3A_64] {strides = array<i32>} : memref<15x128xf32, #tpu.memory_space<vmem>>, vector<16xf32>,
    tpu.vector_store %arg15[%swap3A_63, %swap3A_64], %broadcast_in_dim3A_24 {strides = array<i32>} : memref<15x128xf32, #tpu.memory_space<vmem>>, vector<16xf32>,
    %swap3A_66 = arith.constant 1 : i32
    %swap3A_67 = arith.index_cast %swap3A_66 : i32 to index
    %swap3A_68 = arith.constant 32 : index
    %swap3A_69 = tpu.vector_load %arg15[%swap3A_67, %swap3A_68] {strides = array<i32>} : memref<15x128xf32, #tpu.memory_space<vmem>>, vector<16xf32>,
    tpu.vector_store %arg15[%swap3A_67, %swap3A_68], %broadcast_in_dim3A_24 {strides = array<i32>} : memref<15x128xf32, #tpu.memory_space<vmem>>, vector<16xf32>,
    %swap3A_70 = arith.constant 1 : i32
    %swap3A_71 = arith.index_cast %swap3A_70 : i32 to index
    %swap3A_72 = arith.constant 48 : index
    %swap3A_73 = tpu.vector_load %arg15[%swap3A_71, %swap3A_72] {strides = array<i32>} : memref<15x128xf32, #tpu.memory_space<vmem>>, vector<16xf32>,
    tpu.vector_store %arg15[%swap3A_71, %swap3A_72], %broadcast_in_dim3A_24 {strides = array<i32>} : memref<15x128xf32, #tpu.memory_space<vmem>>, vector<16xf32>,
    %swap3A_74 = arith.constant 1 : i32
    %swap3A_75 = arith.index_cast %swap3A_74 : i32 to index
    %swap3A_76 = arith.constant 64 : index
    %swap3A_77 = tpu.vector_load %arg15[%swap3A_75, %swap3A_76] {strides = array<i32>} : memref<15x128xf32, #tpu.memory_space<vmem>>, vector<16xf32>,
    tpu.vector_store %arg15[%swap3A_75, %swap3A_76], %broadcast_in_dim3A_24 {strides = array<i32>} : memref<15x128xf32, #tpu.memory_space<vmem>>, vector<16xf32>,
    %swap3A_78 = arith.constant 1 : i32
    %swap3A_79 = arith.index_cast %swap3A_78 : i32 to index
    %swap3A_80 = arith.constant 80 : index
    %swap3A_81 = tpu.vector_load %arg15[%swap3A_79, %swap3A_80] {strides = array<i32>} : memref<15x128xf32, #tpu.memory_space<vmem>>, vector<16xf32>,
    tpu.vector_store %arg15[%swap3A_79, %swap3A_80], %broadcast_in_dim3A_24 {strides = array<i32>} : memref<15x128xf32, #tpu.memory_space<vmem>>, vector<16xf32>,
    %swap3A_82 = arith.constant 1 : i32
    %swap3A_83 = arith.index_cast %swap3A_82 : i32 to index
    %swap3A_84 = arith.constant 96 : index
    %swap3A_85 = tpu.vector_load %arg15[%swap3A_83, %swap3A_84] {strides = array<i32>} : memref<15x128xf32, #tpu.memory_space<vmem>>, vector<16xf32>,
    tpu.vector_store %arg15[%swap3A_83, %swap3A_84], %broadcast_in_dim3A_24 {strides = array<i32>} : memref<15x128xf32, #tpu.memory_space<vmem>>, vector<16xf32>,
    %swap3A_86 = arith.constant 1 : i32
    %swap3A_87 = arith.index_cast %swap3A_86 : i32 to index
    %swap3A_88 = arith.constant 112 : index
    %swap3A_89 = tpu.vector_load %arg15[%swap3A_87, %swap3A_88] {strides = array<i32>} : memref<15x128xf32, #tpu.memory_space<vmem>>, vector<16xf32>,
    tpu.vector_store %arg15[%swap3A_87, %swap3A_88], %broadcast_in_dim3A_24 {strides = array<i32>} : memref<15x128xf32, #tpu.memory_space<vmem>>, vector<16xf32>,
    %swap3A_90 = arith.constant 2 : i32
    %swap3A_91 = arith.index_cast %swap3A_90 : i32 to index
    %swap3A_92 = arith.constant 0 : index
    %swap3A_93 = tpu.vector_load %arg15[%swap3A_91, %swap3A_92] {strides = array<i32>} : memref<15x128xf32, #tpu.memory_space<vmem>>, vector<16xf32>,
    tpu.vector_store %arg15[%swap3A_91, %swap3A_92], %broadcast_in_dim3A_24 {strides = array<i32>} : memref<15x128xf32, #tpu.memory_space<vmem>>, vector<16xf32>,
    %swap3A_94 = arith.constant 2 : i32
    %swap3A_95 = arith.index_cast %swap3A_94 : i32 to index
    %swap3A_96 = arith.constant 16 : index
    %swap3A_97 = tpu.vector_load %arg15[%swap3A_95, %swap3A_96] {strides = array<i32>} : memref<15x128xf32, #tpu.memory_space<vmem>>, vector<16xf32>,
    tpu.vector_store %arg15[%swap3A_95, %swap3A_96], %broadcast_in_dim3A_24 {strides = array<i32>} : memref<15x128xf32, #tpu.memory_space<vmem>>, vector<16xf32>,
    %swap3A_98 = arith.constant 2 : i32
    %swap3A_99 = arith.index_cast %swap3A_98 : i32 to index
    %swap3A_100 = arith.constant 32 : index
    %swap3A_101 = tpu.vector_load %arg15[%swap3A_99, %swap3A_100] {strides = array<i32>} : memref<15x128xf32, #tpu.memory_space<vmem>>, vector<16xf32>,
    tpu.vector_store %arg15[%swap3A_99, %swap3A_100], %broadcast_in_dim3A_24 {strides = array<i32>} : memref<15x128xf32, #tpu.memory_space<vmem>>, vector<16xf32>,
    %swap3A_102 = arith.constant 2 : i32
    %swap3A_103 = arith.index_cast %swap3A_102 : i32 to index
    %swap3A_104 = arith.constant 48 : index
    %swap3A_105 = tpu.vector_load %arg15[%swap3A_103, %swap3A_104] {strides = array<i32>} : memref<15x128xf32, #tpu.memory_space<vmem>>, vector<16xf32>,
    tpu.vector_store %arg15[%swap3A_103, %swap3A_104], %broadcast_in_dim3A_24 {strides = array<i32>} : memref<15x128xf32, #tpu.memory_space<vmem>>, vector<16xf32>,
    %swap3A_106 = arith.constant 2 : i32
    %swap3A_107 = arith.index_cast %swap3A_106 : i32 to index
    %swap3A_108 = arith.constant 64 : index
    %swap3A_109 = tpu.vector_load %arg15[%swap3A_107, %swap3A_108] {strides = array<i32>} : memref<15x128xf32, #tpu.memory_space<vmem>>, vector<16xf32>,
    tpu.vector_store %arg15[%swap3A_107, %swap3A_108], %broadcast_in_dim3A_24 {strides = array<i32>} : memref<15x128xf32, #tpu.memory_space<vmem>>, vector<16xf32>,
    %swap3A_110 = arith.constant 2 : i32
    %swap3A_111 = arith.index_cast %swap3A_110 : i32 to index
    %swap3A_112 = arith.constant 80 : index
    %swap3A_113 = tpu.vector_load %arg15[%swap3A_111, %swap3A_112] {strides = array<i32>} : memref<15x128xf32, #tpu.memory_space<vmem>>, vector<16xf32>,
    tpu.vector_store %arg15[%swap3A_111, %swap3A_112], %broadcast_in_dim3A_24 {strides = array<i32>} : memref<15x128xf32, #tpu.memory_space<vmem>>, vector<16xf32>,
    %swap3A_114 = arith.constant 2 : i32
    %swap3A_115 = arith.index_cast %swap3A_114 : i32 to index
    %swap3A_116 = arith.constant 96 : index
    %swap3A_117 = tpu.vector_load %arg15[%swap3A_115, %swap3A_116] {strides = array<i32>} : memref<15x128xf32, #tpu.memory_space<vmem>>, vector<16xf32>,
    tpu.vector_store %arg15[%swap3A_115, %swap3A_116], %broadcast_in_dim3A_24 {strides = array<i32>} : memref<15x128xf32, #tpu.memory_space<vmem>>, vector<16xf32>,
    %swap3A_118 = arith.constant 2 : i32
    %swap3A_119 = arith.index_cast %swap3A_118 : i32 to index
    %swap3A_120 = arith.constant 112 : index
    %swap3A_121 = tpu.vector_load %arg15[%swap3A_119, %swap3A_120] {strides = array<i32>} : memref<15x128xf32, #tpu.memory_space<vmem>>, vector<16xf32>,
    tpu.vector_store %arg15[%swap3A_119, %swap3A_120], %broadcast_in_dim3A_24 {strides = array<i32>} : memref<15x128xf32, #tpu.memory_space<vmem>>, vector<16xf32>,
    %swap3A_122 = arith.constant 3 : i32
    %swap3A_123 = arith.index_cast %swap3A_122 : i32 to index
    %swap3A_124 = arith.constant 0 : index
    %swap3A_125 = tpu.vector_load %arg15[%swap3A_123, %swap3A_124] {strides = array<i32>} : memref<15x128xf32, #tpu.memory_space<vmem>>, vector<16xf32>,
    tpu.vector_store %arg15[%swap3A_123, %swap3A_124], %broadcast_in_dim3A_24 {strides = array<i32>} : memref<15x128xf32, #tpu.memory_space<vmem>>, vector<16xf32>,
    %swap3A_126 = arith.constant 3 : i32
    %swap3A_127 = arith.index_cast %swap3A_126 : i32 to index
    %swap3A_128 = arith.constant 16 : index
    %swap3A_129 = tpu.vector_load %arg15[%swap3A_127, %swap3A_128] {strides = array<i32>} : memref<15x128xf32, #tpu.memory_space<vmem>>, vector<16xf32>,
    tpu.vector_store %arg15[%swap3A_127, %swap3A_128], %broadcast_in_dim3A_24 {strides = array<i32>} : memref<15x128xf32, #tpu.memory_space<vmem>>, vector<16xf32>,
    %swap3A_130 = arith.constant 3 : i32
    %swap3A_131 = arith.index_cast %swap3A_130 : i32 to index
    %swap3A_132 = arith.constant 32 : index
    %swap3A_133 = tpu.vector_load %arg15[%swap3A_131, %swap3A_132] {strides = array<i32>} : memref<15x128xf32, #tpu.memory_space<vmem>>, vector<16xf32>,
    tpu.vector_store %arg15[%swap3A_131, %swap3A_132], %broadcast_in_dim3A_24 {strides = array<i32>} : memref<15x128xf32, #tpu.memory_space<vmem>>, vector<16xf32>,
    %swap3A_134 = arith.constant 3 : i32
    %swap3A_135 = arith.index_cast %swap3A_134 : i32 to index
    %swap3A_136 = arith.constant 48 : index
    %swap3A_137 = tpu.vector_load %arg15[%swap3A_135, %swap3A_136] {strides = array<i32>} : memref<15x128xf32, #tpu.memory_space<vmem>>, vector<16xf32>,
    tpu.vector_store %arg15[%swap3A_135, %swap3A_136], %broadcast_in_dim3A_24 {strides = array<i32>} : memref<15x128xf32, #tpu.memory_space<vmem>>, vector<16xf32>,
    %swap3A_138 = arith.constant 3 : i32
    %swap3A_139 = arith.index_cast %swap3A_138 : i32 to index
    %swap3A_140 = arith.constant 64 : index
    %swap3A_141 = tpu.vector_load %arg15[%swap3A_139, %swap3A_140] {strides = array<i32>} : memref<15x128xf32, #tpu.memory_space<vmem>>, vector<16xf32>,
    tpu.vector_store %arg15[%swap3A_139, %swap3A_140], %broadcast_in_dim3A_24 {strides = array<i32>} : memref<15x128xf32, #tpu.memory_space<vmem>>, vector<16xf32>,
    %swap3A_142 = arith.constant 3 : i32
    %swap3A_143 = arith.index_cast %swap3A_142 : i32 to index
    %swap3A_144 = arith.constant 80 : index
    %swap3A_145 = tpu.vector_load %arg15[%swap3A_143, %swap3A_144] {strides = array<i32>} : memref<15x128xf32, #tpu.memory_space<vmem>>, vector<16xf32>,
    tpu.vector_store %arg15[%swap3A_143, %swap3A_144], %broadcast_in_dim3A_24 {strides = array<i32>} : memref<15x128xf32, #tpu.memory_space<vmem>>, vector<16xf32>,
    %swap3A_146 = arith.constant 3 : i32
    %swap3A_147 = arith.index_cast %swap3A_146 : i32 to index
    %swap3A_148 = arith.constant 96 : index
    %swap3A_149 = tpu.vector_load %arg15[%swap3A_147, %swap3A_148] {strides = array<i32>} : memref<15x128xf32, #tpu.memory_space<vmem>>, vector<16xf32>,
    tpu.vector_store %arg15[%swap3A_147, %swap3A_148], %broadcast_in_dim3A_24 {strides = array<i32>} : memref<15x128xf32, #tpu.memory_space<vmem>>, vector<16xf32>,
    %swap3A_150 = arith.constant 3 : i32
    %swap3A_151 = arith.index_cast %swap3A_150 : i32 to index
    %swap3A_152 = arith.constant 112 : index
    %swap3A_153 = tpu.vector_load %arg15[%swap3A_151, %swap3A_152] {strides = array<i32>} : memref<15x128xf32, #tpu.memory_space<vmem>>, vector<16xf32>,
    tpu.vector_store %arg15[%swap3A_151, %swap3A_152], %broadcast_in_dim3A_24 {strides = array<i32>} : memref<15x128xf32, #tpu.memory_space<vmem>>, vector<16xf32>,
    %swap3A_154 = arith.constant 4 : i32
    %swap3A_155 = arith.index_cast %swap3A_154 : i32 to index
    %swap3A_156 = arith.constant 0 : index
    %swap3A_157 = tpu.vector_load %arg15[%swap3A_155, %swap3A_156] {strides = array<i32>} : memref<15x128xf32, #tpu.memory_space<vmem>>, vector<16xf32>,
    tpu.vector_store %arg15[%swap3A_155, %swap3A_156], %broadcast_in_dim3A_24 {strides = array<i32>} : memref<15x128xf32, #tpu.memory_space<vmem>>, vector<16xf32>,
    %swap3A_158 = arith.constant 4 : i32
    %swap3A_159 = arith.index_cast %swap3A_158 : i32 to index
    %swap3A_160 = arith.constant 16 : index
    %swap3A_161 = tpu.vector_load %arg15[%swap3A_159, %swap3A_160] {strides = array<i32>} : memref<15x128xf32, #tpu.memory_space<vmem>>, vector<16xf32>,
    tpu.vector_store %arg15[%swap3A_159, %swap3A_160], %broadcast_in_dim3A_24 {strides = array<i32>} : memref<15x128xf32, #tpu.memory_space<vmem>>, vector<16xf32>,
    %swap3A_162 = arith.constant 4 : i32
    %swap3A_163 = arith.index_cast %swap3A_162 : i32 to index
    %swap3A_164 = arith.constant 32 : index
    %swap3A_165 = tpu.vector_load %arg15[%swap3A_163, %swap3A_164] {strides = array<i32>} : memref<15x128xf32, #tpu.memory_space<vmem>>, vector<16xf32>,
    tpu.vector_store %arg15[%swap3A_163, %swap3A_164], %broadcast_in_dim3A_24 {strides = array<i32>} : memref<15x128xf32, #tpu.memory_space<vmem>>, vector<16xf32>,
    %swap3A_166 = arith.constant 4 : i32
    %swap3A_167 = arith.index_cast %swap3A_166 : i32 to index
    %swap3A_168 = arith.constant 48 : index
    %swap3A_169 = tpu.vector_load %arg15[%swap3A_167, %swap3A_168] {strides = array<i32>} : memref<15x128xf32, #tpu.memory_space<vmem>>, vector<16xf32>,
    tpu.vector_store %arg15[%swap3A_167, %swap3A_168], %broadcast_in_dim3A_24 {strides = array<i32>} : memref<15x128xf32, #tpu.memory_space<vmem>>, vector<16xf32>,
    %swap3A_170 = arith.constant 4 : i32
    %swap3A_171 = arith.index_cast %swap3A_170 : i32 to index
    %swap3A_172 = arith.constant 64 : index
    %swap3A_173 = tpu.vector_load %arg15[%swap3A_171, %swap3A_172] {strides = array<i32>} : memref<15x128xf32, #tpu.memory_space<vmem>>, vector<16xf32>,
    tpu.vector_store %arg15[%swap3A_171, %swap3A_172], %broadcast_in_dim3A_24 {strides = array<i32>} : memref<15x128xf32, #tpu.memory_space<vmem>>, vector<16xf32>,
    %swap3A_174 = arith.constant 4 : i32
    %swap3A_175 = arith.index_cast %swap3A_174 : i32 to index
    %swap3A_176 = arith.constant 80 : index
    %swap3A_177 = tpu.vector_load %arg15[%swap3A_175, %swap3A_176] {strides = array<i32>} : memref<15x128xf32, #tpu.memory_space<vmem>>, vector<16xf32>,
    tpu.vector_store %arg15[%swap3A_175, %swap3A_176], %broadcast_in_dim3A_24 {strides = array<i32>} : memref<15x128xf32, #tpu.memory_space<vmem>>, vector<16xf32>,
    %swap3A_178 = arith.constant 4 : i32
    %swap3A_179 = arith.index_cast %swap3A_178 : i32 to index
    %swap3A_180 = arith.constant 96 : index
    %swap3A_181 = tpu.vector_load %arg15[%swap3A_179, %swap3A_180] {strides = array<i32>} : memref<15x128xf32, #tpu.memory_space<vmem>>, vector<16xf32>,
    tpu.vector_store %arg15[%swap3A_179, %swap3A_180], %broadcast_in_dim3A_24 {strides = array<i32>} : memref<15x128xf32, #tpu.memory_space<vmem>>, vector<16xf32>,
    %swap3A_182 = arith.constant 4 : i32
    %swap3A_183 = arith.index_cast %swap3A_182 : i32 to index
    %swap3A_184 = arith.constant 112 : index
    %swap3A_185 = tpu.vector_load %arg15[%swap3A_183, %swap3A_184] {strides = array<i32>} : memref<15x128xf32, #tpu.memory_space<vmem>>, vector<16xf32>,
    tpu.vector_store %arg15[%swap3A_183, %swap3A_184], %broadcast_in_dim3A_24 {strides = array<i32>} : memref<15x128xf32, #tpu.memory_space<vmem>>, vector<16xf32>,
    %swap3A_186 = arith.constant 5 : i32
    %swap3A_187 = arith.index_cast %swap3A_186 : i32 to index
    %swap3A_188 = arith.constant 0 : index
    %swap3A_189 = tpu.vector_load %arg15[%swap3A_187, %swap3A_188] {strides = array<i32>} : memref<15x128xf32, #tpu.memory_space<vmem>>, vector<16xf32>,
    tpu.vector_store %arg15[%swap3A_187, %swap3A_188], %broadcast_in_dim3A_24 {strides = array<i32>} : memref<15x128xf32, #tpu.memory_space<vmem>>, vector<16xf32>,
    %swap3A_190 = arith.constant 5 : i32
    %swap3A_191 = arith.index_cast %swap3A_190 : i32 to index
    %swap3A_192 = arith.constant 16 : index
    %swap3A_193 = tpu.vector_load %arg15[%swap3A_191, %swap3A_192] {strides = array<i32>} : memref<15x128xf32, #tpu.memory_space<vmem>>, vector<16xf32>,
    tpu.vector_store %arg15[%swap3A_191, %swap3A_192], %broadcast_in_dim3A_24 {strides = array<i32>} : memref<15x128xf32, #tpu.memory_space<vmem>>, vector<16xf32>,
    %swap3A_194 = arith.constant 5 : i32
    %swap3A_195 = arith.index_cast %swap3A_194 : i32 to index
    %swap3A_196 = arith.constant 32 : index
    %swap3A_197 = tpu.vector_load %arg15[%swap3A_195, %swap3A_196] {strides = array<i32>} : memref<15x128xf32, #tpu.memory_space<vmem>>, vector<16xf32>,
    tpu.vector_store %arg15[%swap3A_195, %swap3A_196], %broadcast_in_dim3A_24 {strides = array<i32>} : memref<15x128xf32, #tpu.memory_space<vmem>>, vector<16xf32>,
    %swap3A_198 = arith.constant 5 : i32
    %swap3A_199 = arith.index_cast %swap3A_198 : i32 to index
    %swap3A_200 = arith.constant 48 : index
    %swap3A_201 = tpu.vector_load %arg15[%swap3A_199, %swap3A_200] {strides = array<i32>} : memref<15x128xf32, #tpu.memory_space<vmem>>, vector<16xf32>,
    tpu.vector_store %arg15[%swap3A_199, %swap3A_200], %broadcast_in_dim3A_24 {strides = array<i32>} : memref<15x128xf32, #tpu.memory_space<vmem>>, vector<16xf32>,
    %swap3A_202 = arith.constant 5 : i32
    %swap3A_203 = arith.index_cast %swap3A_202 : i32 to index
    %swap3A_204 = arith.constant 64 : index
    %swap3A_205 = tpu.vector_load %arg15[%swap3A_203, %swap3A_204] {strides = array<i32>} : memref<15x128xf32, #tpu.memory_space<vmem>>, vector<16xf32>,
    tpu.vector_store %arg15[%swap3A_203, %swap3A_204], %broadcast_in_dim3A_24 {strides = array<i32>} : memref<15x128xf32, #tpu.memory_space<vmem>>, vector<16xf32>,
    %swap3A_206 = arith.constant 5 : i32
    %swap3A_207 = arith.index_cast %swap3A_206 : i32 to index
    %swap3A_208 = arith.constant 80 : index
    %swap3A_209 = tpu.vector_load %arg15[%swap3A_207, %swap3A_208] {strides = array<i32>} : memref<15x128xf32, #tpu.memory_space<vmem>>, vector<16xf32>,
    tpu.vector_store %arg15[%swap3A_207, %swap3A_208], %broadcast_in_dim3A_24 {strides = array<i32>} : memref<15x128xf32, #tpu.memory_space<vmem>>, vector<16xf32>,
    %swap3A_210 = arith.constant 5 : i32
    %swap3A_211 = arith.index_cast %swap3A_210 : i32 to index
    %swap3A_212 = arith.constant 96 : index
    %swap3A_213 = tpu.vector_load %arg15[%swap3A_211, %swap3A_212] {strides = array<i32>} : memref<15x128xf32, #tpu.memory_space<vmem>>, vector<16xf32>,
    tpu.vector_store %arg15[%swap3A_211, %swap3A_212], %broadcast_in_dim3A_24 {strides = array<i32>} : memref<15x128xf32, #tpu.memory_space<vmem>>, vector<16xf32>,
    %swap3A_214 = arith.constant 5 : i32
    %swap3A_215 = arith.index_cast %swap3A_214 : i32 to index
    %swap3A_216 = arith.constant 112 : index
    %swap3A_217 = tpu.vector_load %arg15[%swap3A_215, %swap3A_216] {strides = array<i32>} : memref<15x128xf32, #tpu.memory_space<vmem>>, vector<16xf32>,
    tpu.vector_store %arg15[%swap3A_215, %swap3A_216], %broadcast_in_dim3A_24 {strides = array<i32>} : memref<15x128xf32, #tpu.memory_space<vmem>>, vector<16xf32>,
    %swap3A_218 = arith.constant 6 : i32
    %swap3A_219 = arith.index_cast %swap3A_218 : i32 to index
    %swap3A_220 = arith.constant 0 : index
    %swap3A_221 = tpu.vector_load %arg15[%swap3A_219, %swap3A_220] {strides = array<i32>} : memref<15x128xf32, #tpu.memory_space<vmem>>, vector<16xf32>,
    tpu.vector_store %arg15[%swap3A_219, %swap3A_220], %broadcast_in_dim3A_24 {strides = array<i32>} : memref<15x128xf32, #tpu.memory_space<vmem>>, vector<16xf32>,
    %swap3A_222 = arith.constant 6 : i32
    %swap3A_223 = arith.index_cast %swap3A_222 : i32 to index
    %swap3A_224 = arith.constant 16 : index
    %swap3A_225 = tpu.vector_load %arg15[%swap3A_223, %swap3A_224] {strides = array<i32>} : memref<15x128xf32, #tpu.memory_space<vmem>>, vector<16xf32>,
    tpu.vector_store %arg15[%swap3A_223, %swap3A_224], %broadcast_in_dim3A_24 {strides = array<i32>} : memref<15x128xf32, #tpu.memory_space<vmem>>, vector<16xf32>,
    %swap3A_226 = arith.constant 6 : i32
    %swap3A_227 = arith.index_cast %swap3A_226 : i32 to index
    %swap3A_228 = arith.constant 32 : index
    %swap3A_229 = tpu.vector_load %arg15[%swap3A_227, %swap3A_228] {strides = array<i32>} : memref<15x128xf32, #tpu.memory_space<vmem>>, vector<16xf32>,
    tpu.vector_store %arg15[%swap3A_227, %swap3A_228], %broadcast_in_dim3A_24 {strides = array<i32>} : memref<15x128xf32, #tpu.memory_space<vmem>>, vector<16xf32>,
    %swap3A_230 = arith.constant 6 : i32
    %swap3A_231 = arith.index_cast %swap3A_230 : i32 to index
    %swap3A_232 = arith.constant 48 : index
    %swap3A_233 = tpu.vector_load %arg15[%swap3A_231, %swap3A_232] {strides = array<i32>} : memref<15x128xf32, #tpu.memory_space<vmem>>, vector<16xf32>,
    tpu.vector_store %arg15[%swap3A_231, %swap3A_232], %broadcast_in_dim3A_24 {strides = array<i32>} : memref<15x128xf32, #tpu.memory_space<vmem>>, vector<16xf32>,
    %swap3A_234 = arith.constant 6 : i32
    %swap3A_235 = arith.index_cast %swap3A_234 : i32 to index
    %swap3A_236 = arith.constant 64 : index
    %swap3A_237 = tpu.vector_load %arg15[%swap3A_235, %swap3A_236] {strides = array<i32>} : memref<15x128xf32, #tpu.memory_space<vmem>>, vector<16xf32>,
    tpu.vector_store %arg15[%swap3A_235, %swap3A_236], %broadcast_in_dim3A_24 {strides = array<i32>} : memref<15x128xf32, #tpu.memory_space<vmem>>, vector<16xf32>,
    %swap3A_238 = arith.constant 6 : i32
    %swap3A_239 = arith.index_cast %swap3A_238 : i32 to index
    %swap3A_240 = arith.constant 80 : index
    %swap3A_241 = tpu.vector_load %arg15[%swap3A_239, %swap3A_240] {strides = array<i32>} : memref<15x128xf32, #tpu.memory_space<vmem>>, vector<16xf32>,
    tpu.vector_store %arg15[%swap3A_239, %swap3A_240], %broadcast_in_dim3A_24 {strides = array<i32>} : memref<15x128xf32, #tpu.memory_space<vmem>>, vector<16xf32>,
    %swap3A_242 = arith.constant 6 : i32
    %swap3A_243 = arith.index_cast %swap3A_242 : i32 to index
    %swap3A_244 = arith.constant 96 : index
    %swap3A_245 = tpu.vector_load %arg15[%swap3A_243, %swap3A_244] {strides = array<i32>} : memref<15x128xf32, #tpu.memory_space<vmem>>, vector<16xf32>,
    tpu.vector_store %arg15[%swap3A_243, %swap3A_244], %broadcast_in_dim3A_24 {strides = array<i32>} : memref<15x128xf32, #tpu.memory_space<vmem>>, vector<16xf32>,
    %swap3A_246 = arith.constant 6 : i32
    %swap3A_247 = arith.index_cast %swap3A_246 : i32 to index
    %swap3A_248 = arith.constant 112 : index
    %swap3A_249 = tpu.vector_load %arg15[%swap3A_247, %swap3A_248] {strides = array<i32>} : memref<15x128xf32, #tpu.memory_space<vmem>>, vector<16xf32>,
    tpu.vector_store %arg15[%swap3A_247, %swap3A_248], %broadcast_in_dim3A_24 {strides = array<i32>} : memref<15x128xf32, #tpu.memory_space<vmem>>, vector<16xf32>,
    %swap3A_250 = arith.constant 7 : i32
    %swap3A_251 = arith.index_cast %swap3A_250 : i32 to index
    %swap3A_252 = arith.constant 0 : index
    %swap3A_253 = tpu.vector_load %arg15[%swap3A_251, %swap3A_252] {strides = array<i32>} : memref<15x128xf32, #tpu.memory_space<vmem>>, vector<16xf32>,
    tpu.vector_store %arg15[%swap3A_251, %swap3A_252], %broadcast_in_dim3A_24 {strides = array<i32>} : memref<15x128xf32, #tpu.memory_space<vmem>>, vector<16xf32>,
    %swap3A_254 = arith.constant 7 : i32
    %swap3A_255 = arith.index_cast %swap3A_254 : i32 to index
    %swap3A_256 = arith.constant 16 : index
    %swap3A_257 = tpu.vector_load %arg15[%swap3A_255, %swap3A_256] {strides = array<i32>} : memref<15x128xf32, #tpu.memory_space<vmem>>, vector<16xf32>,
    tpu.vector_store %arg15[%swap3A_255, %swap3A_256], %broadcast_in_dim3A_24 {strides = array<i32>} : memref<15x128xf32, #tpu.memory_space<vmem>>, vector<16xf32>,
    %swap3A_258 = arith.constant 7 : i32
    %swap3A_259 = arith.index_cast %swap3A_258 : i32 to index
    %swap3A_260 = arith.constant 32 : index
    %swap3A_261 = tpu.vector_load %arg15[%swap3A_259, %swap3A_260] {strides = array<i32>} : memref<15x128xf32, #tpu.memory_space<vmem>>, vector<16xf32>,
    tpu.vector_store %arg15[%swap3A_259, %swap3A_260], %broadcast_in_dim3A_24 {strides = array<i32>} : memref<15x128xf32, #tpu.memory_space<vmem>>, vector<16xf32>,
    %swap3A_262 = arith.constant 7 : i32
    %swap3A_263 = arith.index_cast %swap3A_262 : i32 to index
    %swap3A_264 = arith.constant 48 : index
    %swap3A_265 = tpu.vector_load %arg15[%swap3A_263, %swap3A_264] {strides = array<i32>} : memref<15x128xf32, #tpu.memory_space<vmem>>, vector<16xf32>,
    tpu.vector_store %arg15[%swap3A_263, %swap3A_264], %broadcast_in_dim3A_24 {strides = array<i32>} : memref<15x128xf32, #tpu.memory_space<vmem>>, vector<16xf32>,
    %swap3A_266 = arith.constant 7 : i32
    %swap3A_267 = arith.index_cast %swap3A_266 : i32 to index
    %swap3A_268 = arith.constant 64 : index
    %swap3A_269 = tpu.vector_load %arg15[%swap3A_267, %swap3A_268] {strides = array<i32>} : memref<15x128xf32, #tpu.memory_space<vmem>>, vector<16xf32>,
    tpu.vector_store %arg15[%swap3A_267, %swap3A_268], %broadcast_in_dim3A_24 {strides = array<i32>} : memref<15x128xf32, #tpu.memory_space<vmem>>, vector<16xf32>,
    %swap3A_270 = arith.constant 7 : i32
    %swap3A_271 = arith.index_cast %swap3A_270 : i32 to index
    %swap3A_272 = arith.constant 80 : index
    %swap3A_273 = tpu.vector_load %arg15[%swap3A_271, %swap3A_272] {strides = array<i32>} : memref<15x128xf32, #tpu.memory_space<vmem>>, vector<16xf32>,
    tpu.vector_store %arg15[%swap3A_271, %swap3A_272], %broadcast_in_dim3A_24 {strides = array<i32>} : memref<15x128xf32, #tpu.memory_space<vmem>>, vector<16xf32>,
    %swap3A_274 = arith.constant 7 : i32
    %swap3A_275 = arith.index_cast %swap3A_274 : i32 to index
    %swap3A_276 = arith.constant 96 : index
    %swap3A_277 = tpu.vector_load %arg15[%swap3A_275, %swap3A_276] {strides = array<i32>} : memref<15x128xf32, #tpu.memory_space<vmem>>, vector<16xf32>,
    tpu.vector_store %arg15[%swap3A_275, %swap3A_276], %broadcast_in_dim3A_24 {strides = array<i32>} : memref<15x128xf32, #tpu.memory_space<vmem>>, vector<16xf32>,
    %swap3A_278 = arith.constant 7 : i32
    %swap3A_279 = arith.index_cast %swap3A_278 : i32 to index
    %swap3A_280 = arith.constant 112 : index
    %swap3A_281 = tpu.vector_load %arg15[%swap3A_279, %swap3A_280] {strides = array<i32>} : memref<15x128xf32, #tpu.memory_space<vmem>>, vector<16xf32>,
    tpu.vector_store %arg15[%swap3A_279, %swap3A_280], %broadcast_in_dim3A_24 {strides = array<i32>} : memref<15x128xf32, #tpu.memory_space<vmem>>, vector<16xf32>,
    %swap3A_282 = arith.constant 8 : i32
    %swap3A_283 = arith.index_cast %swap3A_282 : i32 to index
    %swap3A_284 = arith.constant 0 : index
    %swap3A_285 = tpu.vector_load %arg15[%swap3A_283, %swap3A_284] {strides = array<i32>} : memref<15x128xf32, #tpu.memory_space<vmem>>, vector<16xf32>,
    tpu.vector_store %arg15[%swap3A_283, %swap3A_284], %broadcast_in_dim3A_24 {strides = array<i32>} : memref<15x128xf32, #tpu.memory_space<vmem>>, vector<16xf32>,
    %swap3A_286 = arith.constant 8 : i32
    %swap3A_287 = arith.index_cast %swap3A_286 : i32 to index
    %swap3A_288 = arith.constant 16 : index
    %swap3A_289 = tpu.vector_load %arg15[%swap3A_287, %swap3A_288] {strides = array<i32>} : memref<15x128xf32, #tpu.memory_space<vmem>>, vector<16xf32>,
    tpu.vector_store %arg15[%swap3A_287, %swap3A_288], %broadcast_in_dim3A_24 {strides = array<i32>} : memref<15x128xf32, #tpu.memory_space<vmem>>, vector<16xf32>,
    %swap3A_290 = arith.constant 8 : i32
    %swap3A_291 = arith.index_cast %swap3A_290 : i32 to index
    %swap3A_292 = arith.constant 32 : index
    %swap3A_293 = tpu.vector_load %arg15[%swap3A_291, %swap3A_292] {strides = array<i32>} : memref<15x128xf32, #tpu.memory_space<vmem>>, vector<16xf32>,
    tpu.vector_store %arg15[%swap3A_291, %swap3A_292], %broadcast_in_dim3A_24 {strides = array<i32>} : memref<15x128xf32, #tpu.memory_space<vmem>>, vector<16xf32>,
    %swap3A_294 = arith.constant 8 : i32
    %swap3A_295 = arith.index_cast %swap3A_294 : i32 to index
    %swap3A_296 = arith.constant 48 : index
    %swap3A_297 = tpu.vector_load %arg15[%swap3A_295, %swap3A_296] {strides = array<i32>} : memref<15x128xf32, #tpu.memory_space<vmem>>, vector<16xf32>,
    tpu.vector_store %arg15[%swap3A_295, %swap3A_296], %broadcast_in_dim3A_24 {strides = array<i32>} : memref<15x128xf32, #tpu.memory_space<vmem>>, vector<16xf32>,
    %swap3A_298 = arith.constant 8 : i32
    %swap3A_299 = arith.index_cast %swap3A_298 : i32 to index
    %swap3A_300 = arith.constant 64 : index
    %swap3A_301 = tpu.vector_load %arg15[%swap3A_299, %swap3A_300] {strides = array<i32>} : memref<15x128xf32, #tpu.memory_space<vmem>>, vector<16xf32>,
    tpu.vector_store %arg15[%swap3A_299, %swap3A_300], %broadcast_in_dim3A_24 {strides = array<i32>} : memref<15x128xf32, #tpu.memory_space<vmem>>, vector<16xf32>,
    %swap3A_302 = arith.constant 8 : i32
    %swap3A_303 = arith.index_cast %swap3A_302 : i32 to index
    %swap3A_304 = arith.constant 80 : index
    %swap3A_305 = tpu.vector_load %arg15[%swap3A_303, %swap3A_304] {strides = array<i32>} : memref<15x128xf32, #tpu.memory_space<vmem>>, vector<16xf32>,
    tpu.vector_store %arg15[%swap3A_303, %swap3A_304], %broadcast_in_dim3A_24 {strides = array<i32>} : memref<15x128xf32, #tpu.memory_space<vmem>>, vector<16xf32>,
    %swap3A_306 = arith.constant 8 : i32
    %swap3A_307 = arith.index_cast %swap3A_306 : i32 to index
    %swap3A_308 = arith.constant 96 : index
    %swap3A_309 = tpu.vector_load %arg15[%swap3A_307, %swap3A_308] {strides = array<i32>} : memref<15x128xf32, #tpu.memory_space<vmem>>, vector<16xf32>,
    tpu.vector_store %arg15[%swap3A_307, %swap3A_308], %broadcast_in_dim3A_24 {strides = array<i32>} : memref<15x128xf32, #tpu.memory_space<vmem>>, vector<16xf32>,
    %swap3A_310 = arith.constant 8 : i32
    %swap3A_311 = arith.index_cast %swap3A_310 : i32 to index
    %swap3A_312 = arith.constant 112 : index
    %swap3A_313 = tpu.vector_load %arg15[%swap3A_311, %swap3A_312] {strides = array<i32>} : memref<15x128xf32, #tpu.memory_space<vmem>>, vector<16xf32>,
    tpu.vector_store %arg15[%swap3A_311, %swap3A_312], %broadcast_in_dim3A_24 {strides = array<i32>} : memref<15x128xf32, #tpu.memory_space<vmem>>, vector<16xf32>,
    %swap3A_314 = arith.constant 9 : i32
    %swap3A_315 = arith.index_cast %swap3A_314 : i32 to index
    %swap3A_316 = arith.constant 0 : index
    %swap3A_317 = tpu.vector_load %arg15[%swap3A_315, %swap3A_316] {strides = array<i32>} : memref<15x128xf32, #tpu.memory_space<vmem>>, vector<16xf32>,
    tpu.vector_store %arg15[%swap3A_315, %swap3A_316], %broadcast_in_dim3A_24 {strides = array<i32>} : memref<15x128xf32, #tpu.memory_space<vmem>>, vector<16xf32>,
    %swap3A_318 = arith.constant 9 : i32
    %swap3A_319 = arith.index_cast %swap3A_318 : i32 to index
    %swap3A_320 = arith.constant 16 : index
    %swap3A_321 = tpu.vector_load %arg15[%swap3A_319, %swap3A_320] {strides = array<i32>} : memref<15x128xf32, #tpu.memory_space<vmem>>, vector<16xf32>,
    tpu.vector_store %arg15[%swap3A_319, %swap3A_320], %broadcast_in_dim3A_24 {strides = array<i32>} : memref<15x128xf32, #tpu.memory_space<vmem>>, vector<16xf32>,
    %swap3A_322 = arith.constant 9 : i32
    %swap3A_323 = arith.index_cast %swap3A_322 : i32 to index
    %swap3A_324 = arith.constant 32 : index
    %swap3A_325 = tpu.vector_load %arg15[%swap3A_323, %swap3A_324] {strides = array<i32>} : memref<15x128xf32, #tpu.memory_space<vmem>>, vector<16xf32>,
    tpu.vector_store %arg15[%swap3A_323, %swap3A_324], %broadcast_in_dim3A_24 {strides = array<i32>} : memref<15x128xf32, #tpu.memory_space<vmem>>, vector<16xf32>,
    %swap3A_326 = arith.constant 9 : i32
    %swap3A_327 = arith.index_cast %swap3A_326 : i32 to index
    %swap3A_328 = arith.constant 48 : index
    %swap3A_329 = tpu.vector_load %arg15[%swap3A_327, %swap3A_328] {strides = array<i32>} : memref<15x128xf32, #tpu.memory_space<vmem>>, vector<16xf32>,
    tpu.vector_store %arg15[%swap3A_327, %swap3A_328], %broadcast_in_dim3A_24 {strides = array<i32>} : memref<15x128xf32, #tpu.memory_space<vmem>>, vector<16xf32>,
    %swap3A_330 = arith.constant 9 : i32
    %swap3A_331 = arith.index_cast %swap3A_330 : i32 to index
    %swap3A_332 = arith.constant 64 : index
    %swap3A_333 = tpu.vector_load %arg15[%swap3A_331, %swap3A_332] {strides = array<i32>} : memref<15x128xf32, #tpu.memory_space<vmem>>, vector<16xf32>,
    tpu.vector_store %arg15[%swap3A_331, %swap3A_332], %broadcast_in_dim3A_24 {strides = array<i32>} : memref<15x128xf32, #tpu.memory_space<vmem>>, vector<16xf32>,
    %swap3A_334 = arith.constant 9 : i32
    %swap3A_335 = arith.index_cast %swap3A_334 : i32 to index
    %swap3A_336 = arith.constant 80 : index
    %swap3A_337 = tpu.vector_load %arg15[%swap3A_335, %swap3A_336] {strides = array<i32>} : memref<15x128xf32, #tpu.memory_space<vmem>>, vector<16xf32>,
    tpu.vector_store %arg15[%swap3A_335, %swap3A_336], %broadcast_in_dim3A_24 {strides = array<i32>} : memref<15x128xf32, #tpu.memory_space<vmem>>, vector<16xf32>,
    %swap3A_338 = arith.constant 9 : i32
    %swap3A_339 = arith.index_cast %swap3A_338 : i32 to index
    %swap3A_340 = arith.constant 96 : index
    %swap3A_341 = tpu.vector_load %arg15[%swap3A_339, %swap3A_340] {strides = array<i32>} : memref<15x128xf32, #tpu.memory_space<vmem>>, vector<16xf32>,
    tpu.vector_store %arg15[%swap3A_339, %swap3A_340], %broadcast_in_dim3A_24 {strides = array<i32>} : memref<15x128xf32, #tpu.memory_space<vmem>>, vector<16xf32>,
    %swap3A_342 = arith.constant 9 : i32
    %swap3A_343 = arith.index_cast %swap3A_342 : i32 to index
    %swap3A_344 = arith.constant 112 : index
    %swap3A_345 = tpu.vector_load %arg15[%swap3A_343, %swap3A_344] {strides = array<i32>} : memref<15x128xf32, #tpu.memory_space<vmem>>, vector<16xf32>,
    tpu.vector_store %arg15[%swap3A_343, %swap3A_344], %broadcast_in_dim3A_24 {strides = array<i32>} : memref<15x128xf32, #tpu.memory_space<vmem>>, vector<16xf32>,
    %swap3A_346 = arith.constant 10 : i32
    %swap3A_347 = arith.index_cast %swap3A_346 : i32 to index
    %swap3A_348 = arith.constant 0 : index
    %swap3A_349 = tpu.vector_load %arg15[%swap3A_347, %swap3A_348] {strides = array<i32>} : memref<15x128xf32, #tpu.memory_space<vmem>>, vector<16xf32>,
    tpu.vector_store %arg15[%swap3A_347, %swap3A_348], %broadcast_in_dim3A_24 {strides = array<i32>} : memref<15x128xf32, #tpu.memory_space<vmem>>, vector<16xf32>,
    %swap3A_350 = arith.constant 10 : i32
    %swap3A_351 = arith.index_cast %swap3A_350 : i32 to index
    %swap3A_352 = arith.constant 16 : index
    %swap3A_353 = tpu.vector_load %arg15[%swap3A_351, %swap3A_352] {strides = array<i32>} : memref<15x128xf32, #tpu.memory_space<vmem>>, vector<16xf32>,
    tpu.vector_store %arg15[%swap3A_351, %swap3A_352], %broadcast_in_dim3A_24 {strides = array<i32>} : memref<15x128xf32, #tpu.memory_space<vmem>>, vector<16xf32>,
    %swap3A_354 = arith.constant 10 : i32
    %swap3A_355 = arith.index_cast %swap3A_354 : i32 to index
    %swap3A_356 = arith.constant 32 : index
    %swap3A_357 = tpu.vector_load %arg15[%swap3A_355, %swap3A_356] {strides = array<i32>} : memref<15x128xf32, #tpu.memory_space<vmem>>, vector<16xf32>,
    tpu.vector_store %arg15[%swap3A_355, %swap3A_356], %broadcast_in_dim3A_24 {strides = array<i32>} : memref<15x128xf32, #tpu.memory_space<vmem>>, vector<16xf32>,
    %swap3A_358 = arith.constant 10 : i32
    %swap3A_359 = arith.index_cast %swap3A_358 : i32 to index
    %swap3A_360 = arith.constant 48 : index
    %swap3A_361 = tpu.vector_load %arg15[%swap3A_359, %swap3A_360] {strides = array<i32>} : memref<15x128xf32, #tpu.memory_space<vmem>>, vector<16xf32>,
    tpu.vector_store %arg15[%swap3A_359, %swap3A_360], %broadcast_in_dim3A_24 {strides = array<i32>} : memref<15x128xf32, #tpu.memory_space<vmem>>, vector<16xf32>,
    %swap3A_362 = arith.constant 10 : i32
    %swap3A_363 = arith.index_cast %swap3A_362 : i32 to index
    %swap3A_364 = arith.constant 64 : index
    %swap3A_365 = tpu.vector_load %arg15[%swap3A_363, %swap3A_364] {strides = array<i32>} : memref<15x128xf32, #tpu.memory_space<vmem>>, vector<16xf32>,
    tpu.vector_store %arg15[%swap3A_363, %swap3A_364], %broadcast_in_dim3A_24 {strides = array<i32>} : memref<15x128xf32, #tpu.memory_space<vmem>>, vector<16xf32>,
    %swap3A_366 = arith.constant 10 : i32
    %swap3A_367 = arith.index_cast %swap3A_366 : i32 to index
    %swap3A_368 = arith.constant 80 : index
    %swap3A_369 = tpu.vector_load %arg15[%swap3A_367, %swap3A_368] {strides = array<i32>} : memref<15x128xf32, #tpu.memory_space<vmem>>, vector<16xf32>,
    tpu.vector_store %arg15[%swap3A_367, %swap3A_368], %broadcast_in_dim3A_24 {strides = array<i32>} : memref<15x128xf32, #tpu.memory_space<vmem>>, vector<16xf32>,
    %swap3A_370 = arith.constant 10 : i32
    %swap3A_371 = arith.index_cast %swap3A_370 : i32 to index
    %swap3A_372 = arith.constant 96 : index
    %swap3A_373 = tpu.vector_load %arg15[%swap3A_371, %swap3A_372] {strides = array<i32>} : memref<15x128xf32, #tpu.memory_space<vmem>>, vector<16xf32>,
    tpu.vector_store %arg15[%swap3A_371, %swap3A_372], %broadcast_in_dim3A_24 {strides = array<i32>} : memref<15x128xf32, #tpu.memory_space<vmem>>, vector<16xf32>,
    %swap3A_374 = arith.constant 10 : i32
    %swap3A_375 = arith.index_cast %swap3A_374 : i32 to index
    %swap3A_376 = arith.constant 112 : index
    %swap3A_377 = tpu.vector_load %arg15[%swap3A_375, %swap3A_376] {strides = array<i32>} : memref<15x128xf32, #tpu.memory_space<vmem>>, vector<16xf32>,
    tpu.vector_store %arg15[%swap3A_375, %swap3A_376], %broadcast_in_dim3A_24 {strides = array<i32>} : memref<15x128xf32, #tpu.memory_space<vmem>>, vector<16xf32>,
    %swap3A_378 = arith.constant 11 : i32
    %swap3A_379 = arith.index_cast %swap3A_378 : i32 to index
    %swap3A_380 = arith.constant 0 : index
    %swap3A_381 = tpu.vector_load %arg15[%swap3A_379, %swap3A_380] {strides = array<i32>} : memref<15x128xf32, #tpu.memory_space<vmem>>, vector<16xf32>,
    tpu.vector_store %arg15[%swap3A_379, %swap3A_380], %broadcast_in_dim3A_24 {strides = array<i32>} : memref<15x128xf32, #tpu.memory_space<vmem>>, vector<16xf32>,
    %swap3A_382 = arith.constant 11 : i32
    %swap3A_383 = arith.index_cast %swap3A_382 : i32 to index
    %swap3A_384 = arith.constant 16 : index
    %swap3A_385 = tpu.vector_load %arg15[%swap3A_383, %swap3A_384] {strides = array<i32>} : memref<15x128xf32, #tpu.memory_space<vmem>>, vector<16xf32>,
    tpu.vector_store %arg15[%swap3A_383, %swap3A_384], %broadcast_in_dim3A_24 {strides = array<i32>} : memref<15x128xf32, #tpu.memory_space<vmem>>, vector<16xf32>,
    %swap3A_386 = arith.constant 11 : i32
    %swap3A_387 = arith.index_cast %swap3A_386 : i32 to index
    %swap3A_388 = arith.constant 32 : index
    %swap3A_389 = tpu.vector_load %arg15[%swap3A_387, %swap3A_388] {strides = array<i32>} : memref<15x128xf32, #tpu.memory_space<vmem>>, vector<16xf32>,
    tpu.vector_store %arg15[%swap3A_387, %swap3A_388], %broadcast_in_dim3A_24 {strides = array<i32>} : memref<15x128xf32, #tpu.memory_space<vmem>>, vector<16xf32>,
    %swap3A_390 = arith.constant 11 : i32
    %swap3A_391 = arith.index_cast %swap3A_390 : i32 to index
    %swap3A_392 = arith.constant 48 : index
    %swap3A_393 = tpu.vector_load %arg15[%swap3A_391, %swap3A_392] {strides = array<i32>} : memref<15x128xf32, #tpu.memory_space<vmem>>, vector<16xf32>,
    tpu.vector_store %arg15[%swap3A_391, %swap3A_392], %broadcast_in_dim3A_24 {strides = array<i32>} : memref<15x128xf32, #tpu.memory_space<vmem>>, vector<16xf32>,
    %swap3A_394 = arith.constant 11 : i32
    %swap3A_395 = arith.index_cast %swap3A_394 : i32 to index
    %swap3A_396 = arith.constant 64 : index
    %swap3A_397 = tpu.vector_load %arg15[%swap3A_395, %swap3A_396] {strides = array<i32>} : memref<15x128xf32, #tpu.memory_space<vmem>>, vector<16xf32>,
    tpu.vector_store %arg15[%swap3A_395, %swap3A_396], %broadcast_in_dim3A_24 {strides = array<i32>} : memref<15x128xf32, #tpu.memory_space<vmem>>, vector<16xf32>,
    %swap3A_398 = arith.constant 11 : i32
    %swap3A_399 = arith.index_cast %swap3A_398 : i32 to index
    %swap3A_400 = arith.constant 80 : index
    %swap3A_401 = tpu.vector_load %arg15[%swap3A_399, %swap3A_400] {strides = array<i32>} : memref<15x128xf32, #tpu.memory_space<vmem>>, vector<16xf32>,
    tpu.vector_store %arg15[%swap3A_399, %swap3A_400], %broadcast_in_dim3A_24 {strides = array<i32>} : memref<15x128xf32, #tpu.memory_space<vmem>>, vector<16xf32>,
    %swap3A_402 = arith.constant 11 : i32
    %swap3A_403 = arith.index_cast %swap3A_402 : i32 to index
    %swap3A_404 = arith.constant 96 : index
    %swap3A_405 = tpu.vector_load %arg15[%swap3A_403, %swap3A_404] {strides = array<i32>} : memref<15x128xf32, #tpu.memory_space<vmem>>, vector<16xf32>,
    tpu.vector_store %arg15[%swap3A_403, %swap3A_404], %broadcast_in_dim3A_24 {strides = array<i32>} : memref<15x128xf32, #tpu.memory_space<vmem>>, vector<16xf32>,
    %swap3A_406 = arith.constant 11 : i32
    %swap3A_407 = arith.index_cast %swap3A_406 : i32 to index
    %swap3A_408 = arith.constant 112 : index
    %swap3A_409 = tpu.vector_load %arg15[%swap3A_407, %swap3A_408] {strides = array<i32>} : memref<15x128xf32, #tpu.memory_space<vmem>>, vector<16xf32>,
    tpu.vector_store %arg15[%swap3A_407, %swap3A_408], %broadcast_in_dim3A_24 {strides = array<i32>} : memref<15x128xf32, #tpu.memory_space<vmem>>, vector<16xf32>,
    %swap3A_410 = arith.constant 12 : i32
    %swap3A_411 = arith.index_cast %swap3A_410 : i32 to index
    %swap3A_412 = arith.constant 0 : index
    %swap3A_413 = tpu.vector_load %arg15[%swap3A_411, %swap3A_412] {strides = array<i32>} : memref<15x128xf32, #tpu.memory_space<vmem>>, vector<16xf32>,
    tpu.vector_store %arg15[%swap3A_411, %swap3A_412], %broadcast_in_dim3A_24 {strides = array<i32>} : memref<15x128xf32, #tpu.memory_space<vmem>>, vector<16xf32>,
    %swap3A_414 = arith.constant 12 : i32
    %swap3A_415 = arith.index_cast %swap3A_414 : i32 to index
    %swap3A_416 = arith.constant 16 : index
    %swap3A_417 = tpu.vector_load %arg15[%swap3A_415, %swap3A_416] {strides = array<i32>} : memref<15x128xf32, #tpu.memory_space<vmem>>, vector<16xf32>,
    tpu.vector_store %arg15[%swap3A_415, %swap3A_416], %broadcast_in_dim3A_24 {strides = array<i32>} : memref<15x128xf32, #tpu.memory_space<vmem>>, vector<16xf32>,
    %swap3A_418 = arith.constant 12 : i32
    %swap3A_419 = arith.index_cast %swap3A_418 : i32 to index
    %swap3A_420 = arith.constant 32 : index
    %swap3A_421 = tpu.vector_load %arg15[%swap3A_419, %swap3A_420] {strides = array<i32>} : memref<15x128xf32, #tpu.memory_space<vmem>>, vector<16xf32>,
    tpu.vector_store %arg15[%swap3A_419, %swap3A_420], %broadcast_in_dim3A_24 {strides = array<i32>} : memref<15x128xf32, #tpu.memory_space<vmem>>, vector<16xf32>,
    %swap3A_422 = arith.constant 12 : i32
    %swap3A_423 = arith.index_cast %swap3A_422 : i32 to index
    %swap3A_424 = arith.constant 48 : index
    %swap3A_425 = tpu.vector_load %arg15[%swap3A_423, %swap3A_424] {strides = array<i32>} : memref<15x128xf32, #tpu.memory_space<vmem>>, vector<16xf32>,
    tpu.vector_store %arg15[%swap3A_423, %swap3A_424], %broadcast_in_dim3A_24 {strides = array<i32>} : memref<15x128xf32, #tpu.memory_space<vmem>>, vector<16xf32>,
    %swap3A_426 = arith.constant 12 : i32
    %swap3A_427 = arith.index_cast %swap3A_426 : i32 to index
    %swap3A_428 = arith.constant 64 : index
    %swap3A_429 = tpu.vector_load %arg15[%swap3A_427, %swap3A_428] {strides = array<i32>} : memref<15x128xf32, #tpu.memory_space<vmem>>, vector<16xf32>,
    tpu.vector_store %arg15[%swap3A_427, %swap3A_428], %broadcast_in_dim3A_24 {strides = array<i32>} : memref<15x128xf32, #tpu.memory_space<vmem>>, vector<16xf32>,
    %swap3A_430 = arith.constant 12 : i32
    %swap3A_431 = arith.index_cast %swap3A_430 : i32 to index
    %swap3A_432 = arith.constant 80 : index
    %swap3A_433 = tpu.vector_load %arg15[%swap3A_431, %swap3A_432] {strides = array<i32>} : memref<15x128xf32, #tpu.memory_space<vmem>>, vector<16xf32>,
    tpu.vector_store %arg15[%swap3A_431, %swap3A_432], %broadcast_in_dim3A_24 {strides = array<i32>} : memref<15x128xf32, #tpu.memory_space<vmem>>, vector<16xf32>,
    %swap3A_434 = arith.constant 12 : i32
    %swap3A_435 = arith.index_cast %swap3A_434 : i32 to index
    %swap3A_436 = arith.constant 96 : index
    %swap3A_437 = tpu.vector_load %arg15[%swap3A_435, %swap3A_436] {strides = array<i32>} : memref<15x128xf32, #tpu.memory_space<vmem>>, vector<16xf32>,
    tpu.vector_store %arg15[%swap3A_435, %swap3A_436], %broadcast_in_dim3A_24 {strides = array<i32>} : memref<15x128xf32, #tpu.memory_space<vmem>>, vector<16xf32>,
    %swap3A_438 = arith.constant 12 : i32
    %swap3A_439 = arith.index_cast %swap3A_438 : i32 to index
    %swap3A_440 = arith.constant 112 : index
    %swap3A_441 = tpu.vector_load %arg15[%swap3A_439, %swap3A_440] {strides = array<i32>} : memref<15x128xf32, #tpu.memory_space<vmem>>, vector<16xf32>,
    tpu.vector_store %arg15[%swap3A_439, %swap3A_440], %broadcast_in_dim3A_24 {strides = array<i32>} : memref<15x128xf32, #tpu.memory_space<vmem>>, vector<16xf32>,
    %swap3A_442 = arith.constant 13 : i32
    %swap3A_443 = arith.index_cast %swap3A_442 : i32 to index
    %swap3A_444 = arith.constant 0 : index
    %swap3A_445 = tpu.vector_load %arg15[%swap3A_443, %swap3A_444] {strides = array<i32>} : memref<15x128xf32, #tpu.memory_space<vmem>>, vector<16xf32>,
    tpu.vector_store %arg15[%swap3A_443, %swap3A_444], %broadcast_in_dim3A_24 {strides = array<i32>} : memref<15x128xf32, #tpu.memory_space<vmem>>, vector<16xf32>,
    %swap3A_446 = arith.constant 13 : i32
    %swap3A_447 = arith.index_cast %swap3A_446 : i32 to index
    %swap3A_448 = arith.constant 16 : index
    %swap3A_449 = tpu.vector_load %arg15[%swap3A_447, %swap3A_448] {strides = array<i32>} : memref<15x128xf32, #tpu.memory_space<vmem>>, vector<16xf32>,
    tpu.vector_store %arg15[%swap3A_447, %swap3A_448], %broadcast_in_dim3A_24 {strides = array<i32>} : memref<15x128xf32, #tpu.memory_space<vmem>>, vector<16xf32>,
    %swap3A_450 = arith.constant 13 : i32
    %swap3A_451 = arith.index_cast %swap3A_450 : i32 to index
    %swap3A_452 = arith.constant 32 : index
    %swap3A_453 = tpu.vector_load %arg15[%swap3A_451, %swap3A_452] {strides = array<i32>} : memref<15x128xf32, #tpu.memory_space<vmem>>, vector<16xf32>,
    tpu.vector_store %arg15[%swap3A_451, %swap3A_452], %broadcast_in_dim3A_24 {strides = array<i32>} : memref<15x128xf32, #tpu.memory_space<vmem>>, vector<16xf32>,
    %swap3A_454 = arith.constant 13 : i32
    %swap3A_455 = arith.index_cast %swap3A_454 : i32 to index
    %swap3A_456 = arith.constant 48 : index
    %swap3A_457 = tpu.vector_load %arg15[%swap3A_455, %swap3A_456] {strides = array<i32>} : memref<15x128xf32, #tpu.memory_space<vmem>>, vector<16xf32>,
    tpu.vector_store %arg15[%swap3A_455, %swap3A_456], %broadcast_in_dim3A_24 {strides = array<i32>} : memref<15x128xf32, #tpu.memory_space<vmem>>, vector<16xf32>,
    %swap3A_458 = arith.constant 13 : i32
    %swap3A_459 = arith.index_cast %swap3A_458 : i32 to index
    %swap3A_460 = arith.constant 64 : index
    %swap3A_461 = tpu.vector_load %arg15[%swap3A_459, %swap3A_460] {strides = array<i32>} : memref<15x128xf32, #tpu.memory_space<vmem>>, vector<16xf32>,
    tpu.vector_store %arg15[%swap3A_459, %swap3A_460], %broadcast_in_dim3A_24 {strides = array<i32>} : memref<15x128xf32, #tpu.memory_space<vmem>>, vector<16xf32>,
    %swap3A_462 = arith.constant 13 : i32
    %swap3A_463 = arith.index_cast %swap3A_462 : i32 to index
    %swap3A_464 = arith.constant 80 : index
    %swap3A_465 = tpu.vector_load %arg15[%swap3A_463, %swap3A_464] {strides = array<i32>} : memref<15x128xf32, #tpu.memory_space<vmem>>, vector<16xf32>,
    tpu.vector_store %arg15[%swap3A_463, %swap3A_464], %broadcast_in_dim3A_24 {strides = array<i32>} : memref<15x128xf32, #tpu.memory_space<vmem>>, vector<16xf32>,
    %swap3A_466 = arith.constant 13 : i32
    %swap3A_467 = arith.index_cast %swap3A_466 : i32 to index
    %swap3A_468 = arith.constant 96 : index
    %swap3A_469 = tpu.vector_load %arg15[%swap3A_467, %swap3A_468] {strides = array<i32>} : memref<15x128xf32, #tpu.memory_space<vmem>>, vector<16xf32>,
    tpu.vector_store %arg15[%swap3A_467, %swap3A_468], %broadcast_in_dim3A_24 {strides = array<i32>} : memref<15x128xf32, #tpu.memory_space<vmem>>, vector<16xf32>,
    %swap3A_470 = arith.constant 13 : i32
    %swap3A_471 = arith.index_cast %swap3A_470 : i32 to index
    %swap3A_472 = arith.constant 112 : index
    %swap3A_473 = tpu.vector_load %arg15[%swap3A_471, %swap3A_472] {strides = array<i32>} : memref<15x128xf32, #tpu.memory_space<vmem>>, vector<16xf32>,
    tpu.vector_store %arg15[%swap3A_471, %swap3A_472], %broadcast_in_dim3A_24 {strides = array<i32>} : memref<15x128xf32, #tpu.memory_space<vmem>>, vector<16xf32>,
    %swap3A_474 = arith.constant 14 : i32
    %swap3A_475 = arith.index_cast %swap3A_474 : i32 to index
    %swap3A_476 = arith.constant 0 : index
    %swap3A_477 = tpu.vector_load %arg15[%swap3A_475, %swap3A_476] {strides = array<i32>} : memref<15x128xf32, #tpu.memory_space<vmem>>, vector<16xf32>,
    tpu.vector_store %arg15[%swap3A_475, %swap3A_476], %broadcast_in_dim3A_24 {strides = array<i32>} : memref<15x128xf32, #tpu.memory_space<vmem>>, vector<16xf32>,
    %swap3A_478 = arith.constant 14 : i32
    %swap3A_479 = arith.index_cast %swap3A_478 : i32 to index
    %swap3A_480 = arith.constant 16 : index
    %swap3A_481 = tpu.vector_load %arg15[%swap3A_479, %swap3A_480] {strides = array<i32>} : memref<15x128xf32, #tpu.memory_space<vmem>>, vector<16xf32>,
    tpu.vector_store %arg15[%swap3A_479, %swap3A_480], %broadcast_in_dim3A_24 {strides = array<i32>} : memref<15x128xf32, #tpu.memory_space<vmem>>, vector<16xf32>,
    %swap3A_482 = arith.constant 14 : i32
    %swap3A_483 = arith.index_cast %swap3A_482 : i32 to index
    %swap3A_484 = arith.constant 32 : index
    %swap3A_485 = tpu.vector_load %arg15[%swap3A_483, %swap3A_484] {strides = array<i32>} : memref<15x128xf32, #tpu.memory_space<vmem>>, vector<16xf32>,
    tpu.vector_store %arg15[%swap3A_483, %swap3A_484], %broadcast_in_dim3A_24 {strides = array<i32>} : memref<15x128xf32, #tpu.memory_space<vmem>>, vector<16xf32>,
    %swap3A_486 = arith.constant 14 : i32
    %swap3A_487 = arith.index_cast %swap3A_486 : i32 to index
    %swap3A_488 = arith.constant 48 : index
    %swap3A_489 = tpu.vector_load %arg15[%swap3A_487, %swap3A_488] {strides = array<i32>} : memref<15x128xf32, #tpu.memory_space<vmem>>, vector<16xf32>,
    tpu.vector_store %arg15[%swap3A_487, %swap3A_488], %broadcast_in_dim3A_24 {strides = array<i32>} : memref<15x128xf32, #tpu.memory_space<vmem>>, vector<16xf32>,
    %swap3A_490 = arith.constant 14 : i32
    %swap3A_491 = arith.index_cast %swap3A_490 : i32 to index
    %swap3A_492 = arith.constant 64 : index
    %swap3A_493 = tpu.vector_load %arg15[%swap3A_491, %swap3A_492] {strides = array<i32>} : memref<15x128xf32, #tpu.memory_space<vmem>>, vector<16xf32>,
    tpu.vector_store %arg15[%swap3A_491, %swap3A_492], %broadcast_in_dim3A_24 {strides = array<i32>} : memref<15x128xf32, #tpu.memory_space<vmem>>, vector<16xf32>,
    %swap3A_494 = arith.constant 14 : i32
    %swap3A_495 = arith.index_cast %swap3A_494 : i32 to index
    %swap3A_496 = arith.constant 80 : index
    %swap3A_497 = tpu.vector_load %arg15[%swap3A_495, %swap3A_496] {strides = array<i32>} : memref<15x128xf32, #tpu.memory_space<vmem>>, vector<16xf32>,
    tpu.vector_store %arg15[%swap3A_495, %swap3A_496], %broadcast_in_dim3A_24 {strides = array<i32>} : memref<15x128xf32, #tpu.memory_space<vmem>>, vector<16xf32>,
    %swap3A_498 = arith.constant 14 : i32
    %swap3A_499 = arith.index_cast %swap3A_498 : i32 to index
    %swap3A_500 = arith.constant 96 : index
    %swap3A_501 = tpu.vector_load %arg15[%swap3A_499, %swap3A_500] {strides = array<i32>} : memref<15x128xf32, #tpu.memory_space<vmem>>, vector<16xf32>,
    tpu.vector_store %arg15[%swap3A_499, %swap3A_500], %broadcast_in_dim3A_24 {strides = array<i32>} : memref<15x128xf32, #tpu.memory_space<vmem>>, vector<16xf32>,
    %swap3A_502 = arith.constant 14 : i32
    %swap3A_503 = arith.index_cast %swap3A_502 : i32 to index
    %swap3A_504 = arith.constant 112 : index
    %swap3A_505 = tpu.vector_load %arg15[%swap3A_503, %swap3A_504] {strides = array<i32>} : memref<15x128xf32, #tpu.memory_space<vmem>>, vector<16xf32>,
    tpu.vector_store %arg15[%swap3A_503, %swap3A_504], %broadcast_in_dim3A_24 {strides = array<i32>} : memref<15x128xf32, #tpu.memory_space<vmem>>, vector<16xf32>,
    %dma_wait3A = tpu.memref_slice %arg2[%mul3A_15] : memref<4096xi32, #tpu.memory_space<hbm>> -> memref<128xi32, #tpu.memory_space<hbm>>
    %dma_wait3A_506 = tpu.memref_slice %arg2[%mul3A_15] : memref<4096xi32, #tpu.memory_space<hbm>> -> memref<128xi32, #tpu.memory_space<hbm>>
    tpu.wait_dma2 semaphore(%arg19 : memref<!tpu.dma_semaphore, #tpu.memory_space<semaphore_mem>>) src(%dma_wait3A_506 : memref<128xi32, #tpu.memory_space<hbm>>) dst(%arg10 : memref<128xi32, #tpu.memory_space<vmem>>)
    %dma_wait3A_507 = tpu.memref_slice %arg3[%mul3A_15] : memref<4096xi32, #tpu.memory_space<hbm>> -> memref<128xi32, #tpu.memory_space<hbm>>
    %dma_wait3A_508 = tpu.memref_slice %arg3[%mul3A_15] : memref<4096xi32, #tpu.memory_space<hbm>> -> memref<128xi32, #tpu.memory_space<hbm>>
    tpu.wait_dma2 semaphore(%arg19 : memref<!tpu.dma_semaphore, #tpu.memory_space<semaphore_mem>>) src(%dma_wait3A_508 : memref<128xi32, #tpu.memory_space<hbm>>) dst(%arg11 : memref<128xi32, #tpu.memory_space<vmem>>)
    %dma_wait3A_509 = tpu.memref_slice %arg4[%mul3A_15] : memref<4096xi32, #tpu.memory_space<hbm>> -> memref<128xi32, #tpu.memory_space<hbm>>
    %dma_wait3A_510 = tpu.memref_slice %arg4[%mul3A_15] : memref<4096xi32, #tpu.memory_space<hbm>> -> memref<128xi32, #tpu.memory_space<hbm>>
    tpu.wait_dma2 semaphore(%arg19 : memref<!tpu.dma_semaphore, #tpu.memory_space<semaphore_mem>>) src(%dma_wait3A_510 : memref<128xi32, #tpu.memory_space<hbm>>) dst(%arg12 : memref<128xi32, #tpu.memory_space<vmem>>)
    %dma_wait3A_511 = tpu.memref_slice %arg5[%mul3A_15] : memref<4096xi32, #tpu.memory_space<hbm>> -> memref<128xi32, #tpu.memory_space<hbm>>
    %dma_wait3A_512 = tpu.memref_slice %arg5[%mul3A_15] : memref<4096xi32, #tpu.memory_space<hbm>> -> memref<128xi32, #tpu.memory_space<hbm>>
    tpu.wait_dma2 semaphore(%arg19 : memref<!tpu.dma_semaphore, #tpu.memory_space<semaphore_mem>>) src(%dma_wait3A_512 : memref<128xi32, #tpu.memory_space<hbm>>) dst(%arg13 : memref<128xi32, #tpu.memory_space<vmem>>)
    tpu.wait_dma2 semaphore(%arg19 : memref<!tpu.dma_semaphore, #tpu.memory_space<semaphore_mem>>) src(%arg6 : memref<16xi32, #tpu.memory_space<hbm>>) dst(%arg14 : memref<16xi32, #tpu.memory_space<vmem>>)
    %jit3A = arith.constant 2 : i32
    %div3A = arith.divsi %add3A, %jit3A : i32
    %sign3A = arith.constant 0 : i32
    %sign3A_513 = arith.cmpi sgt, %add3A, %sign3A : i32
    %sign3A_514 = arith.extui %sign3A_513 : i1 to i32
    %sign3A_515 = arith.constant 0 : i32
    %sign3A_516 = arith.cmpi slt, %add3A, %sign3A_515 : i32
    %sign3A_517 = arith.extui %sign3A_516 : i1 to i32
    %sign3A_518 = arith.subi %sign3A_514, %sign3A_517 : i32
    %sign3A_519 = arith.constant 0 : i32
    %sign3A_520 = arith.cmpi sgt, %jit3A, %sign3A_519 : i32
    %sign3A_521 = arith.extui %sign3A_520 : i1 to i32
    %sign3A_522 = arith.constant 0 : i32
    %sign3A_523 = arith.cmpi slt, %jit3A, %sign3A_522 : i32
    %sign3A_524 = arith.extui %sign3A_523 : i1 to i32
    %sign3A_525 = arith.subi %sign3A_521, %sign3A_524 : i32
    %ne3A = arith.cmpi ne, %sign3A_518, %sign3A_525 : i32
    %rem3A = arith.remsi %add3A, %jit3A : i32
    %ne3A_526 = arith.constant 0 : i32
    %ne3A_527 = arith.cmpi ne, %rem3A, %ne3A_526 : i32
    %and3A = arith.andi %ne3A, %ne3A_527 : i1
    %sub3A = arith.constant 1 : i32
    %sub3A_528 = arith.subi %div3A, %sub3A : i32
    %select_n3A = arith.select %and3A, %sub3A_528, %div3A : i32
    %broadcast_in_dim3A_529 = vector.broadcast %select_n3A : i32 to vector<16xi32>
    %gather3A = tpu.vector_load_idx %arg14[%broadcast_in_dim3A_529] : memref<16xi32, #tpu.memory_space<vmem>>[vector<16xi32>], vector<16xi32>,
    %jit3A_530 = arith.constant 2 : i32
    %eq3A = arith.constant 0 : i32
    %eq3A_531 = arith.cmpi eq, %jit3A_530, %eq3A : i32
    %jit3A_532 = arith.constant 1 : i32
    %select_n3A_533 = arith.select %eq3A_531, %jit3A_532, %jit3A_530 : i32
    %rem3A_534 = arith.remsi %add3A, %select_n3A_533 : i32
    %ne3A_535 = arith.constant 0 : i32
    %ne3A_536 = arith.cmpi ne, %rem3A_534, %ne3A_535 : i32
    %lt3A = arith.constant 0 : i32
    %lt3A_537 = arith.cmpi slt, %rem3A_534, %lt3A : i32
    %lt3A_538 = arith.constant 0 : i32
    %lt3A_539 = arith.cmpi slt, %select_n3A_533, %lt3A_538 : i32
    %ne3A_540 = arith.xori %lt3A_537, %lt3A_539 : i1
    %and3A_541 = arith.andi %ne3A_540, %ne3A_536 : i1
    %add3A_542 = arith.addi %rem3A_534, %select_n3A_533 : i32
    %select_n3A_543 = arith.select %and3A_541, %add3A_542, %rem3A_534 : i32
    %mul3A_544 = arith.constant 128 : i32
    %mul3A_545 = arith.muli %select_n3A_543, %mul3A_544 : i32
    %add3A_546 = arith.constant 0 : i32
    %add3A_547 = arith.addi %mul3A_545, %add3A_546 : i32
    %add3A_548 = vector.broadcast %add3A_547 : i32 to vector<16xi32>
    %add3A_549 = arith.addi %add3A_548, %iota3A : vector<16xi32>
    %lt3A_550 = arith.cmpi slt, %add3A_549, %gather3A : vector<16xi32>
    %select_n3A_551 = arith.select %lt3A_550, %broadcast_in_dim3A_26, %broadcast_in_dim3A_24 : vector<16xi1>, vector<16xf32>
    %add3A_552 = arith.constant 0 : i32
    %add3A_553 = vector.broadcast %add3A_552 : i32 to vector<16xi32>
    %add3A_554 = arith.addi %add3A_553, %iota3A : vector<16xi32>
    %get3A = arith.constant 0 : index
    %get3A_555 = tpu.vector_load %arg10[%get3A] {strides = array<i32>} : memref<128xi32, #tpu.memory_space<vmem>>, vector<16xi32>,
    %sub3A_556 = arith.constant 10 : i32
    %sub3A_557 = vector.broadcast %sub3A_556 : i32 to vector<16xi32>
    %sub3A_558 = arith.subi %get3A_555, %sub3A_557 : vector<16xi32>
    tpu.vector_store_idx %arg15[%sub3A_558, %add3A_554], %select_n3A_551 : memref<15x128xf32, #tpu.memory_space<vmem>>[vector<16xi32>, vector<16xi32>], vector<16xf32>,
    %get3A_559 = arith.constant 0 : index
    %get3A_560 = tpu.vector_load %arg11[%get3A_559] {strides = array<i32>} : memref<128xi32, #tpu.memory_space<vmem>>, vector<16xi32>,
    %sub3A_561 = arith.constant 12 : i32
    %sub3A_562 = vector.broadcast %sub3A_561 : i32 to vector<16xi32>
    %sub3A_563 = arith.subi %get3A_560, %sub3A_562 : vector<16xi32>
    tpu.vector_store_idx %arg15[%sub3A_563, %add3A_554], %select_n3A_551 : memref<15x128xf32, #tpu.memory_space<vmem>>[vector<16xi32>, vector<16xi32>], vector<16xf32>,
    %get3A_564 = arith.constant 0 : index
    %get3A_565 = tpu.vector_load %arg12[%get3A_564] {strides = array<i32>} : memref<128xi32, #tpu.memory_space<vmem>>, vector<16xi32>,
    %sub3A_566 = arith.constant 20 : i32
    %sub3A_567 = vector.broadcast %sub3A_566 : i32 to vector<16xi32>
    %sub3A_568 = arith.subi %get3A_565, %sub3A_567 : vector<16xi32>
    tpu.vector_store_idx %arg15[%sub3A_568, %add3A_554], %select_n3A_551 : memref<15x128xf32, #tpu.memory_space<vmem>>[vector<16xi32>, vector<16xi32>], vector<16xf32>,
    %get3A_569 = arith.constant 0 : index
    %get3A_570 = tpu.vector_load %arg13[%get3A_569] {strides = array<i32>} : memref<128xi32, #tpu.memory_space<vmem>>, vector<16xi32>,
    %sub3A_571 = arith.constant 27 : i32
    %sub3A_572 = vector.broadcast %sub3A_571 : i32 to vector<16xi32>
    %sub3A_573 = arith.subi %get3A_570, %sub3A_572 : vector<16xi32>
    tpu.vector_store_idx %arg15[%sub3A_573, %add3A_554], %select_n3A_551 : memref<15x128xf32, #tpu.memory_space<vmem>>[vector<16xi32>, vector<16xi32>], vector<16xf32>,
    %add3A_574 = arith.constant 16 : i32
    %add3A_575 = arith.addi %mul3A_545, %add3A_574 : i32
    %add3A_576 = vector.broadcast %add3A_575 : i32 to vector<16xi32>
    %add3A_577 = arith.addi %add3A_576, %iota3A : vector<16xi32>
    %lt3A_578 = arith.cmpi slt, %add3A_577, %gather3A : vector<16xi32>
    %select_n3A_579 = arith.select %lt3A_578, %broadcast_in_dim3A_26, %broadcast_in_dim3A_24 : vector<16xi1>, vector<16xf32>
    %add3A_580 = arith.constant 16 : i32
    %add3A_581 = vector.broadcast %add3A_580 : i32 to vector<16xi32>
    %add3A_582 = arith.addi %add3A_581, %iota3A : vector<16xi32>
    %get3A_583 = arith.constant 16 : index
    %get3A_584 = tpu.vector_load %arg10[%get3A_583] {strides = array<i32>} : memref<128xi32, #tpu.memory_space<vmem>>, vector<16xi32>,
    %sub3A_585 = arith.constant 10 : i32
    %sub3A_586 = vector.broadcast %sub3A_585 : i32 to vector<16xi32>
    %sub3A_587 = arith.subi %get3A_584, %sub3A_586 : vector<16xi32>
    tpu.vector_store_idx %arg15[%sub3A_587, %add3A_582], %select_n3A_579 : memref<15x128xf32, #tpu.memory_space<vmem>>[vector<16xi32>, vector<16xi32>], vector<16xf32>,
    %get3A_588 = arith.constant 16 : index
    %get3A_589 = tpu.vector_load %arg11[%get3A_588] {strides = array<i32>} : memref<128xi32, #tpu.memory_space<vmem>>, vector<16xi32>,
    %sub3A_590 = arith.constant 12 : i32
    %sub3A_591 = vector.broadcast %sub3A_590 : i32 to vector<16xi32>
    %sub3A_592 = arith.subi %get3A_589, %sub3A_591 : vector<16xi32>
    tpu.vector_store_idx %arg15[%sub3A_592, %add3A_582], %select_n3A_579 : memref<15x128xf32, #tpu.memory_space<vmem>>[vector<16xi32>, vector<16xi32>], vector<16xf32>,
    %get3A_593 = arith.constant 16 : index
    %get3A_594 = tpu.vector_load %arg12[%get3A_593] {strides = array<i32>} : memref<128xi32, #tpu.memory_space<vmem>>, vector<16xi32>,
    %sub3A_595 = arith.constant 20 : i32
    %sub3A_596 = vector.broadcast %sub3A_595 : i32 to vector<16xi32>
    %sub3A_597 = arith.subi %get3A_594, %sub3A_596 : vector<16xi32>
    tpu.vector_store_idx %arg15[%sub3A_597, %add3A_582], %select_n3A_579 : memref<15x128xf32, #tpu.memory_space<vmem>>[vector<16xi32>, vector<16xi32>], vector<16xf32>,
    %get3A_598 = arith.constant 16 : index
    %get3A_599 = tpu.vector_load %arg13[%get3A_598] {strides = array<i32>} : memref<128xi32, #tpu.memory_space<vmem>>, vector<16xi32>,
    %sub3A_600 = arith.constant 27 : i32
    %sub3A_601 = vector.broadcast %sub3A_600 : i32 to vector<16xi32>
    %sub3A_602 = arith.subi %get3A_599, %sub3A_601 : vector<16xi32>
    tpu.vector_store_idx %arg15[%sub3A_602, %add3A_582], %select_n3A_579 : memref<15x128xf32, #tpu.memory_space<vmem>>[vector<16xi32>, vector<16xi32>], vector<16xf32>,
    %add3A_603 = arith.constant 32 : i32
    %add3A_604 = arith.addi %mul3A_545, %add3A_603 : i32
    %add3A_605 = vector.broadcast %add3A_604 : i32 to vector<16xi32>
    %add3A_606 = arith.addi %add3A_605, %iota3A : vector<16xi32>
    %lt3A_607 = arith.cmpi slt, %add3A_606, %gather3A : vector<16xi32>
    %select_n3A_608 = arith.select %lt3A_607, %broadcast_in_dim3A_26, %broadcast_in_dim3A_24 : vector<16xi1>, vector<16xf32>
    %add3A_609 = arith.constant 32 : i32
    %add3A_610 = vector.broadcast %add3A_609 : i32 to vector<16xi32>
    %add3A_611 = arith.addi %add3A_610, %iota3A : vector<16xi32>
    %get3A_612 = arith.constant 32 : index
    %get3A_613 = tpu.vector_load %arg10[%get3A_612] {strides = array<i32>} : memref<128xi32, #tpu.memory_space<vmem>>, vector<16xi32>,
    %sub3A_614 = arith.constant 10 : i32
    %sub3A_615 = vector.broadcast %sub3A_614 : i32 to vector<16xi32>
    %sub3A_616 = arith.subi %get3A_613, %sub3A_615 : vector<16xi32>
    tpu.vector_store_idx %arg15[%sub3A_616, %add3A_611], %select_n3A_608 : memref<15x128xf32, #tpu.memory_space<vmem>>[vector<16xi32>, vector<16xi32>], vector<16xf32>,
    %get3A_617 = arith.constant 32 : index
    %get3A_618 = tpu.vector_load %arg11[%get3A_617] {strides = array<i32>} : memref<128xi32, #tpu.memory_space<vmem>>, vector<16xi32>,
    %sub3A_619 = arith.constant 12 : i32
    %sub3A_620 = vector.broadcast %sub3A_619 : i32 to vector<16xi32>
    %sub3A_621 = arith.subi %get3A_618, %sub3A_620 : vector<16xi32>
    tpu.vector_store_idx %arg15[%sub3A_621, %add3A_611], %select_n3A_608 : memref<15x128xf32, #tpu.memory_space<vmem>>[vector<16xi32>, vector<16xi32>], vector<16xf32>,
    %get3A_622 = arith.constant 32 : index
    %get3A_623 = tpu.vector_load %arg12[%get3A_622] {strides = array<i32>} : memref<128xi32, #tpu.memory_space<vmem>>, vector<16xi32>,
    %sub3A_624 = arith.constant 20 : i32
    %sub3A_625 = vector.broadcast %sub3A_624 : i32 to vector<16xi32>
    %sub3A_626 = arith.subi %get3A_623, %sub3A_625 : vector<16xi32>
    tpu.vector_store_idx %arg15[%sub3A_626, %add3A_611], %select_n3A_608 : memref<15x128xf32, #tpu.memory_space<vmem>>[vector<16xi32>, vector<16xi32>], vector<16xf32>,
    %get3A_627 = arith.constant 32 : index
    %get3A_628 = tpu.vector_load %arg13[%get3A_627] {strides = array<i32>} : memref<128xi32, #tpu.memory_space<vmem>>, vector<16xi32>,
    %sub3A_629 = arith.constant 27 : i32
    %sub3A_630 = vector.broadcast %sub3A_629 : i32 to vector<16xi32>
    %sub3A_631 = arith.subi %get3A_628, %sub3A_630 : vector<16xi32>
    tpu.vector_store_idx %arg15[%sub3A_631, %add3A_611], %select_n3A_608 : memref<15x128xf32, #tpu.memory_space<vmem>>[vector<16xi32>, vector<16xi32>], vector<16xf32>,
    %add3A_632 = arith.constant 48 : i32
    %add3A_633 = arith.addi %mul3A_545, %add3A_632 : i32
    %add3A_634 = vector.broadcast %add3A_633 : i32 to vector<16xi32>
    %add3A_635 = arith.addi %add3A_634, %iota3A : vector<16xi32>
    %lt3A_636 = arith.cmpi slt, %add3A_635, %gather3A : vector<16xi32>
    %select_n3A_637 = arith.select %lt3A_636, %broadcast_in_dim3A_26, %broadcast_in_dim3A_24 : vector<16xi1>, vector<16xf32>
    %add3A_638 = arith.constant 48 : i32
    %add3A_639 = vector.broadcast %add3A_638 : i32 to vector<16xi32>
    %add3A_640 = arith.addi %add3A_639, %iota3A : vector<16xi32>
    %get3A_641 = arith.constant 48 : index
    %get3A_642 = tpu.vector_load %arg10[%get3A_641] {strides = array<i32>} : memref<128xi32, #tpu.memory_space<vmem>>, vector<16xi32>,
    %sub3A_643 = arith.constant 10 : i32
    %sub3A_644 = vector.broadcast %sub3A_643 : i32 to vector<16xi32>
    %sub3A_645 = arith.subi %get3A_642, %sub3A_644 : vector<16xi32>
    tpu.vector_store_idx %arg15[%sub3A_645, %add3A_640], %select_n3A_637 : memref<15x128xf32, #tpu.memory_space<vmem>>[vector<16xi32>, vector<16xi32>], vector<16xf32>,
    %get3A_646 = arith.constant 48 : index
    %get3A_647 = tpu.vector_load %arg11[%get3A_646] {strides = array<i32>} : memref<128xi32, #tpu.memory_space<vmem>>, vector<16xi32>,
    %sub3A_648 = arith.constant 12 : i32
    %sub3A_649 = vector.broadcast %sub3A_648 : i32 to vector<16xi32>
    %sub3A_650 = arith.subi %get3A_647, %sub3A_649 : vector<16xi32>
    tpu.vector_store_idx %arg15[%sub3A_650, %add3A_640], %select_n3A_637 : memref<15x128xf32, #tpu.memory_space<vmem>>[vector<16xi32>, vector<16xi32>], vector<16xf32>,
    %get3A_651 = arith.constant 48 : index
    %get3A_652 = tpu.vector_load %arg12[%get3A_651] {strides = array<i32>} : memref<128xi32, #tpu.memory_space<vmem>>, vector<16xi32>,
    %sub3A_653 = arith.constant 20 : i32
    %sub3A_654 = vector.broadcast %sub3A_653 : i32 to vector<16xi32>
    %sub3A_655 = arith.subi %get3A_652, %sub3A_654 : vector<16xi32>
    tpu.vector_store_idx %arg15[%sub3A_655, %add3A_640], %select_n3A_637 : memref<15x128xf32, #tpu.memory_space<vmem>>[vector<16xi32>, vector<16xi32>], vector<16xf32>,
    %get3A_656 = arith.constant 48 : index
    %get3A_657 = tpu.vector_load %arg13[%get3A_656] {strides = array<i32>} : memref<128xi32, #tpu.memory_space<vmem>>, vector<16xi32>,
    %sub3A_658 = arith.constant 27 : i32
    %sub3A_659 = vector.broadcast %sub3A_658 : i32 to vector<16xi32>
    %sub3A_660 = arith.subi %get3A_657, %sub3A_659 : vector<16xi32>
    tpu.vector_store_idx %arg15[%sub3A_660, %add3A_640], %select_n3A_637 : memref<15x128xf32, #tpu.memory_space<vmem>>[vector<16xi32>, vector<16xi32>], vector<16xf32>,
    %add3A_661 = arith.constant 64 : i32
    %add3A_662 = arith.addi %mul3A_545, %add3A_661 : i32
    %add3A_663 = vector.broadcast %add3A_662 : i32 to vector<16xi32>
    %add3A_664 = arith.addi %add3A_663, %iota3A : vector<16xi32>
    %lt3A_665 = arith.cmpi slt, %add3A_664, %gather3A : vector<16xi32>
    %select_n3A_666 = arith.select %lt3A_665, %broadcast_in_dim3A_26, %broadcast_in_dim3A_24 : vector<16xi1>, vector<16xf32>
    %add3A_667 = arith.constant 64 : i32
    %add3A_668 = vector.broadcast %add3A_667 : i32 to vector<16xi32>
    %add3A_669 = arith.addi %add3A_668, %iota3A : vector<16xi32>
    %get3A_670 = arith.constant 64 : index
    %get3A_671 = tpu.vector_load %arg10[%get3A_670] {strides = array<i32>} : memref<128xi32, #tpu.memory_space<vmem>>, vector<16xi32>,
    %sub3A_672 = arith.constant 10 : i32
    %sub3A_673 = vector.broadcast %sub3A_672 : i32 to vector<16xi32>
    %sub3A_674 = arith.subi %get3A_671, %sub3A_673 : vector<16xi32>
    tpu.vector_store_idx %arg15[%sub3A_674, %add3A_669], %select_n3A_666 : memref<15x128xf32, #tpu.memory_space<vmem>>[vector<16xi32>, vector<16xi32>], vector<16xf32>,
    %get3A_675 = arith.constant 64 : index
    %get3A_676 = tpu.vector_load %arg11[%get3A_675] {strides = array<i32>} : memref<128xi32, #tpu.memory_space<vmem>>, vector<16xi32>,
    %sub3A_677 = arith.constant 12 : i32
    %sub3A_678 = vector.broadcast %sub3A_677 : i32 to vector<16xi32>
    %sub3A_679 = arith.subi %get3A_676, %sub3A_678 : vector<16xi32>
    tpu.vector_store_idx %arg15[%sub3A_679, %add3A_669], %select_n3A_666 : memref<15x128xf32, #tpu.memory_space<vmem>>[vector<16xi32>, vector<16xi32>], vector<16xf32>,
    %get3A_680 = arith.constant 64 : index
    %get3A_681 = tpu.vector_load %arg12[%get3A_680] {strides = array<i32>} : memref<128xi32, #tpu.memory_space<vmem>>, vector<16xi32>,
    %sub3A_682 = arith.constant 20 : i32
    %sub3A_683 = vector.broadcast %sub3A_682 : i32 to vector<16xi32>
    %sub3A_684 = arith.subi %get3A_681, %sub3A_683 : vector<16xi32>
    tpu.vector_store_idx %arg15[%sub3A_684, %add3A_669], %select_n3A_666 : memref<15x128xf32, #tpu.memory_space<vmem>>[vector<16xi32>, vector<16xi32>], vector<16xf32>,
    %get3A_685 = arith.constant 64 : index
    %get3A_686 = tpu.vector_load %arg13[%get3A_685] {strides = array<i32>} : memref<128xi32, #tpu.memory_space<vmem>>, vector<16xi32>,
    %sub3A_687 = arith.constant 27 : i32
    %sub3A_688 = vector.broadcast %sub3A_687 : i32 to vector<16xi32>
    %sub3A_689 = arith.subi %get3A_686, %sub3A_688 : vector<16xi32>
    tpu.vector_store_idx %arg15[%sub3A_689, %add3A_669], %select_n3A_666 : memref<15x128xf32, #tpu.memory_space<vmem>>[vector<16xi32>, vector<16xi32>], vector<16xf32>,
    %add3A_690 = arith.constant 80 : i32
    %add3A_691 = arith.addi %mul3A_545, %add3A_690 : i32
    %add3A_692 = vector.broadcast %add3A_691 : i32 to vector<16xi32>
    %add3A_693 = arith.addi %add3A_692, %iota3A : vector<16xi32>
    %lt3A_694 = arith.cmpi slt, %add3A_693, %gather3A : vector<16xi32>
    %select_n3A_695 = arith.select %lt3A_694, %broadcast_in_dim3A_26, %broadcast_in_dim3A_24 : vector<16xi1>, vector<16xf32>
    %add3A_696 = arith.constant 80 : i32
    %add3A_697 = vector.broadcast %add3A_696 : i32 to vector<16xi32>
    %add3A_698 = arith.addi %add3A_697, %iota3A : vector<16xi32>
    %get3A_699 = arith.constant 80 : index
    %get3A_700 = tpu.vector_load %arg10[%get3A_699] {strides = array<i32>} : memref<128xi32, #tpu.memory_space<vmem>>, vector<16xi32>,
    %sub3A_701 = arith.constant 10 : i32
    %sub3A_702 = vector.broadcast %sub3A_701 : i32 to vector<16xi32>
    %sub3A_703 = arith.subi %get3A_700, %sub3A_702 : vector<16xi32>
    tpu.vector_store_idx %arg15[%sub3A_703, %add3A_698], %select_n3A_695 : memref<15x128xf32, #tpu.memory_space<vmem>>[vector<16xi32>, vector<16xi32>], vector<16xf32>,
    %get3A_704 = arith.constant 80 : index
    %get3A_705 = tpu.vector_load %arg11[%get3A_704] {strides = array<i32>} : memref<128xi32, #tpu.memory_space<vmem>>, vector<16xi32>,
    %sub3A_706 = arith.constant 12 : i32
    %sub3A_707 = vector.broadcast %sub3A_706 : i32 to vector<16xi32>
    %sub3A_708 = arith.subi %get3A_705, %sub3A_707 : vector<16xi32>
    tpu.vector_store_idx %arg15[%sub3A_708, %add3A_698], %select_n3A_695 : memref<15x128xf32, #tpu.memory_space<vmem>>[vector<16xi32>, vector<16xi32>], vector<16xf32>,
    %get3A_709 = arith.constant 80 : index
    %get3A_710 = tpu.vector_load %arg12[%get3A_709] {strides = array<i32>} : memref<128xi32, #tpu.memory_space<vmem>>, vector<16xi32>,
    %sub3A_711 = arith.constant 20 : i32
    %sub3A_712 = vector.broadcast %sub3A_711 : i32 to vector<16xi32>
    %sub3A_713 = arith.subi %get3A_710, %sub3A_712 : vector<16xi32>
    tpu.vector_store_idx %arg15[%sub3A_713, %add3A_698], %select_n3A_695 : memref<15x128xf32, #tpu.memory_space<vmem>>[vector<16xi32>, vector<16xi32>], vector<16xf32>,
    %get3A_714 = arith.constant 80 : index
    %get3A_715 = tpu.vector_load %arg13[%get3A_714] {strides = array<i32>} : memref<128xi32, #tpu.memory_space<vmem>>, vector<16xi32>,
    %sub3A_716 = arith.constant 27 : i32
    %sub3A_717 = vector.broadcast %sub3A_716 : i32 to vector<16xi32>
    %sub3A_718 = arith.subi %get3A_715, %sub3A_717 : vector<16xi32>
    tpu.vector_store_idx %arg15[%sub3A_718, %add3A_698], %select_n3A_695 : memref<15x128xf32, #tpu.memory_space<vmem>>[vector<16xi32>, vector<16xi32>], vector<16xf32>,
    %add3A_719 = arith.constant 96 : i32
    %add3A_720 = arith.addi %mul3A_545, %add3A_719 : i32
    %add3A_721 = vector.broadcast %add3A_720 : i32 to vector<16xi32>
    %add3A_722 = arith.addi %add3A_721, %iota3A : vector<16xi32>
    %lt3A_723 = arith.cmpi slt, %add3A_722, %gather3A : vector<16xi32>
    %select_n3A_724 = arith.select %lt3A_723, %broadcast_in_dim3A_26, %broadcast_in_dim3A_24 : vector<16xi1>, vector<16xf32>
    %add3A_725 = arith.constant 96 : i32
    %add3A_726 = vector.broadcast %add3A_725 : i32 to vector<16xi32>
    %add3A_727 = arith.addi %add3A_726, %iota3A : vector<16xi32>
    %get3A_728 = arith.constant 96 : index
    %get3A_729 = tpu.vector_load %arg10[%get3A_728] {strides = array<i32>} : memref<128xi32, #tpu.memory_space<vmem>>, vector<16xi32>,
    %sub3A_730 = arith.constant 10 : i32
    %sub3A_731 = vector.broadcast %sub3A_730 : i32 to vector<16xi32>
    %sub3A_732 = arith.subi %get3A_729, %sub3A_731 : vector<16xi32>
    tpu.vector_store_idx %arg15[%sub3A_732, %add3A_727], %select_n3A_724 : memref<15x128xf32, #tpu.memory_space<vmem>>[vector<16xi32>, vector<16xi32>], vector<16xf32>,
    %get3A_733 = arith.constant 96 : index
    %get3A_734 = tpu.vector_load %arg11[%get3A_733] {strides = array<i32>} : memref<128xi32, #tpu.memory_space<vmem>>, vector<16xi32>,
    %sub3A_735 = arith.constant 12 : i32
    %sub3A_736 = vector.broadcast %sub3A_735 : i32 to vector<16xi32>
    %sub3A_737 = arith.subi %get3A_734, %sub3A_736 : vector<16xi32>
    tpu.vector_store_idx %arg15[%sub3A_737, %add3A_727], %select_n3A_724 : memref<15x128xf32, #tpu.memory_space<vmem>>[vector<16xi32>, vector<16xi32>], vector<16xf32>,
    %get3A_738 = arith.constant 96 : index
    %get3A_739 = tpu.vector_load %arg12[%get3A_738] {strides = array<i32>} : memref<128xi32, #tpu.memory_space<vmem>>, vector<16xi32>,
    %sub3A_740 = arith.constant 20 : i32
    %sub3A_741 = vector.broadcast %sub3A_740 : i32 to vector<16xi32>
    %sub3A_742 = arith.subi %get3A_739, %sub3A_741 : vector<16xi32>
    tpu.vector_store_idx %arg15[%sub3A_742, %add3A_727], %select_n3A_724 : memref<15x128xf32, #tpu.memory_space<vmem>>[vector<16xi32>, vector<16xi32>], vector<16xf32>,
    %get3A_743 = arith.constant 96 : index
    %get3A_744 = tpu.vector_load %arg13[%get3A_743] {strides = array<i32>} : memref<128xi32, #tpu.memory_space<vmem>>, vector<16xi32>,
    %sub3A_745 = arith.constant 27 : i32
    %sub3A_746 = vector.broadcast %sub3A_745 : i32 to vector<16xi32>
    %sub3A_747 = arith.subi %get3A_744, %sub3A_746 : vector<16xi32>
    tpu.vector_store_idx %arg15[%sub3A_747, %add3A_727], %select_n3A_724 : memref<15x128xf32, #tpu.memory_space<vmem>>[vector<16xi32>, vector<16xi32>], vector<16xf32>,
    %add3A_748 = arith.constant 112 : i32
    %add3A_749 = arith.addi %mul3A_545, %add3A_748 : i32
    %add3A_750 = vector.broadcast %add3A_749 : i32 to vector<16xi32>
    %add3A_751 = arith.addi %add3A_750, %iota3A : vector<16xi32>
    %lt3A_752 = arith.cmpi slt, %add3A_751, %gather3A : vector<16xi32>
    %select_n3A_753 = arith.select %lt3A_752, %broadcast_in_dim3A_26, %broadcast_in_dim3A_24 : vector<16xi1>, vector<16xf32>
    %add3A_754 = arith.constant 112 : i32
    %add3A_755 = vector.broadcast %add3A_754 : i32 to vector<16xi32>
    %add3A_756 = arith.addi %add3A_755, %iota3A : vector<16xi32>
    %get3A_757 = arith.constant 112 : index
    %get3A_758 = tpu.vector_load %arg10[%get3A_757] {strides = array<i32>} : memref<128xi32, #tpu.memory_space<vmem>>, vector<16xi32>,
    %sub3A_759 = arith.constant 10 : i32
    %sub3A_760 = vector.broadcast %sub3A_759 : i32 to vector<16xi32>
    %sub3A_761 = arith.subi %get3A_758, %sub3A_760 : vector<16xi32>
    tpu.vector_store_idx %arg15[%sub3A_761, %add3A_756], %select_n3A_753 : memref<15x128xf32, #tpu.memory_space<vmem>>[vector<16xi32>, vector<16xi32>], vector<16xf32>,
    %get3A_762 = arith.constant 112 : index
    %get3A_763 = tpu.vector_load %arg11[%get3A_762] {strides = array<i32>} : memref<128xi32, #tpu.memory_space<vmem>>, vector<16xi32>,
    %sub3A_764 = arith.constant 12 : i32
    %sub3A_765 = vector.broadcast %sub3A_764 : i32 to vector<16xi32>
    %sub3A_766 = arith.subi %get3A_763, %sub3A_765 : vector<16xi32>
    tpu.vector_store_idx %arg15[%sub3A_766, %add3A_756], %select_n3A_753 : memref<15x128xf32, #tpu.memory_space<vmem>>[vector<16xi32>, vector<16xi32>], vector<16xf32>,
    %get3A_767 = arith.constant 112 : index
    %get3A_768 = tpu.vector_load %arg12[%get3A_767] {strides = array<i32>} : memref<128xi32, #tpu.memory_space<vmem>>, vector<16xi32>,
    %sub3A_769 = arith.constant 20 : i32
    %sub3A_770 = vector.broadcast %sub3A_769 : i32 to vector<16xi32>
    %sub3A_771 = arith.subi %get3A_768, %sub3A_770 : vector<16xi32>
    tpu.vector_store_idx %arg15[%sub3A_771, %add3A_756], %select_n3A_753 : memref<15x128xf32, #tpu.memory_space<vmem>>[vector<16xi32>, vector<16xi32>], vector<16xf32>,
    %get3A_772 = arith.constant 112 : index
    %get3A_773 = tpu.vector_load %arg13[%get3A_772] {strides = array<i32>} : memref<128xi32, #tpu.memory_space<vmem>>, vector<16xi32>,
    %sub3A_774 = arith.constant 27 : i32
    %sub3A_775 = vector.broadcast %sub3A_774 : i32 to vector<16xi32>
    %sub3A_776 = arith.subi %get3A_773, %sub3A_775 : vector<16xi32>
    tpu.vector_store_idx %arg15[%sub3A_776, %add3A_756], %select_n3A_753 : memref<15x128xf32, #tpu.memory_space<vmem>>[vector<16xi32>, vector<16xi32>], vector<16xf32>,
    %jit3A_777 = arith.constant 2 : i32
    %div3A_778 = arith.divsi %add3A, %jit3A_777 : i32
    %sign3A_779 = arith.constant 0 : i32
    %sign3A_780 = arith.cmpi sgt, %add3A, %sign3A_779 : i32
    %sign3A_781 = arith.extui %sign3A_780 : i1 to i32
    %sign3A_782 = arith.constant 0 : i32
    %sign3A_783 = arith.cmpi slt, %add3A, %sign3A_782 : i32
    %sign3A_784 = arith.extui %sign3A_783 : i1 to i32
    %sign3A_785 = arith.subi %sign3A_781, %sign3A_784 : i32
    %sign3A_786 = arith.constant 0 : i32
    %sign3A_787 = arith.cmpi sgt, %jit3A_777, %sign3A_786 : i32
    %sign3A_788 = arith.extui %sign3A_787 : i1 to i32
    %sign3A_789 = arith.constant 0 : i32
    %sign3A_790 = arith.cmpi slt, %jit3A_777, %sign3A_789 : i32
    %sign3A_791 = arith.extui %sign3A_790 : i1 to i32
    %sign3A_792 = arith.subi %sign3A_788, %sign3A_791 : i32
    %ne3A_793 = arith.cmpi ne, %sign3A_785, %sign3A_792 : i32
    %rem3A_794 = arith.remsi %add3A, %jit3A_777 : i32
    %ne3A_795 = arith.constant 0 : i32
    %ne3A_796 = arith.cmpi ne, %rem3A_794, %ne3A_795 : i32
    %and3A_797 = arith.andi %ne3A_793, %ne3A_796 : i1
    %sub3A_798 = arith.constant 1 : i32
    %sub3A_799 = arith.subi %div3A_778, %sub3A_798 : i32
    %select_n3A_800 = arith.select %and3A_797, %sub3A_799, %div3A_778 : i32
    %jit3A_801 = arith.constant 8 : i32
    %div3A_802 = arith.divsi %select_n3A_800, %jit3A_801 : i32
    %sign3A_803 = arith.constant 0 : i32
    %sign3A_804 = arith.cmpi sgt, %select_n3A_800, %sign3A_803 : i32
    %sign3A_805 = arith.extui %sign3A_804 : i1 to i32
    %sign3A_806 = arith.constant 0 : i32
    %sign3A_807 = arith.cmpi slt, %select_n3A_800, %sign3A_806 : i32
    %sign3A_808 = arith.extui %sign3A_807 : i1 to i32
    %sign3A_809 = arith.subi %sign3A_805, %sign3A_808 : i32
    %sign3A_810 = arith.constant 0 : i32
    %sign3A_811 = arith.cmpi sgt, %jit3A_801, %sign3A_810 : i32
    %sign3A_812 = arith.extui %sign3A_811 : i1 to i32
    %sign3A_813 = arith.constant 0 : i32
    %sign3A_814 = arith.cmpi slt, %jit3A_801, %sign3A_813 : i32
    %sign3A_815 = arith.extui %sign3A_814 : i1 to i32
    %sign3A_816 = arith.subi %sign3A_812, %sign3A_815 : i32
    %ne3A_817 = arith.cmpi ne, %sign3A_809, %sign3A_816 : i32
    %rem3A_818 = arith.remsi %select_n3A_800, %jit3A_801 : i32
    %ne3A_819 = arith.constant 0 : i32
    %ne3A_820 = arith.cmpi ne, %rem3A_818, %ne3A_819 : i32
    %and3A_821 = arith.andi %ne3A_817, %ne3A_820 : i1
    %sub3A_822 = arith.constant 1 : i32
    %sub3A_823 = arith.subi %div3A_802, %sub3A_822 : i32
    %select_n3A_824 = arith.select %and3A_821, %sub3A_823, %div3A_802 : i32
    %mul3A_825 = arith.constant 16 : i32
    %mul3A_826 = arith.muli %select_n3A_824, %mul3A_825 : i32
    %jit3A_827 = arith.constant 2 : i32
    %eq3A_828 = arith.constant 0 : i32
    %eq3A_829 = arith.cmpi eq, %jit3A_827, %eq3A_828 : i32
    %jit3A_830 = arith.constant 1 : i32
    %select_n3A_831 = arith.select %eq3A_829, %jit3A_830, %jit3A_827 : i32
    %rem3A_832 = arith.remsi %add3A, %select_n3A_831 : i32
    %ne3A_833 = arith.constant 0 : i32
    %ne3A_834 = arith.cmpi ne, %rem3A_832, %ne3A_833 : i32
    %lt3A_835 = arith.constant 0 : i32
    %lt3A_836 = arith.cmpi slt, %rem3A_832, %lt3A_835 : i32
    %lt3A_837 = arith.constant 0 : i32
    %lt3A_838 = arith.cmpi slt, %select_n3A_831, %lt3A_837 : i32
    %ne3A_839 = arith.xori %lt3A_836, %lt3A_838 : i1
    %and3A_840 = arith.andi %ne3A_839, %ne3A_834 : i1
    %add3A_841 = arith.addi %rem3A_832, %select_n3A_831 : i32
    %select_n3A_842 = arith.select %and3A_840, %add3A_841, %rem3A_832 : i32
    %mul3A_843 = arith.constant 8 : i32
    %mul3A_844 = arith.muli %select_n3A_842, %mul3A_843 : i32
    %add3A_845 = arith.addi %mul3A_826, %mul3A_844 : i32
    %jit3A_846 = arith.constant 8 : i32
    %eq3A_847 = arith.constant 0 : i32
    %eq3A_848 = arith.cmpi eq, %jit3A_846, %eq3A_847 : i32
    %jit3A_849 = arith.constant 1 : i32
    %select_n3A_850 = arith.select %eq3A_848, %jit3A_849, %jit3A_846 : i32
    %rem3A_851 = arith.remsi %select_n3A_800, %select_n3A_850 : i32
    %ne3A_852 = arith.constant 0 : i32
    %ne3A_853 = arith.cmpi ne, %rem3A_851, %ne3A_852 : i32
    %lt3A_854 = arith.constant 0 : i32
    %lt3A_855 = arith.cmpi slt, %rem3A_851, %lt3A_854 : i32
    %lt3A_856 = arith.constant 0 : i32
    %lt3A_857 = arith.cmpi slt, %select_n3A_850, %lt3A_856 : i32
    %ne3A_858 = arith.xori %lt3A_855, %lt3A_857 : i1
    %and3A_859 = arith.andi %ne3A_858, %ne3A_853 : i1
    %add3A_860 = arith.addi %rem3A_851, %select_n3A_850 : i32
    %select_n3A_861 = arith.select %and3A_859, %add3A_860, %rem3A_851 : i32
    %add3A_862 = arith.addi %add3A_845, %select_n3A_861 : i32
    %dma_start3A_863 = arith.constant 0 : i32
    %dma_start3A_864 = arith.constant 0 : i32
    %dma_start3A_865 = tpu.memref_slice %arg8[%dma_start3A_863, %add3A_862, %dma_start3A_864] : memref<15x32x128xf32, #tpu.memory_space<hbm>> -> memref<15x1x128xf32, #tpu.memory_space<hbm>>
    %dma_start3A_866 = tpu.memref_squeeze %dma_start3A_865 : memref<15x1x128xf32, #tpu.memory_space<hbm>> -> memref<15x128xf32, #tpu.memory_space<hbm>>
    %dma_start3A_867 = arith.constant 0 : i32
    %dma_start3A_868 = arith.constant 0 : i32
    %dma_start3A_869 = tpu.memref_slice %arg8[%dma_start3A_867, %add3A_862, %dma_start3A_868] : memref<15x32x128xf32, #tpu.memory_space<hbm>> -> memref<15x1x128xf32, #tpu.memory_space<hbm>>
    %dma_start3A_870 = tpu.memref_squeeze %dma_start3A_869 : memref<15x1x128xf32, #tpu.memory_space<hbm>> -> memref<15x128xf32, #tpu.memory_space<hbm>>
    tpu.enqueue_dma source(%arg15 : memref<15x128xf32, #tpu.memory_space<vmem>>) target(%dma_start3A_870 : memref<15x128xf32, #tpu.memory_space<hbm>>) target_semaphore(%arg20 : memref<!tpu.dma_semaphore, #tpu.memory_space<semaphore_mem>>)
    %dma_wait3A_871 = tpu.memref_slice %arg7[%add3A_4] : memref<4194304xf32, #tpu.memory_space<hbm>> -> memref<32768xf32, #tpu.memory_space<hbm>>
    %dma_wait3A_872 = tpu.memref_slice %arg7[%add3A_4] : memref<4194304xf32, #tpu.memory_space<hbm>> -> memref<32768xf32, #tpu.memory_space<hbm>>
    tpu.wait_dma2 semaphore(%arg21 : memref<!tpu.dma_semaphore, #tpu.memory_space<semaphore_mem>>) src(%dma_wait3A_872 : memref<32768xf32, #tpu.memory_space<hbm>>) dst(%arg16 : memref<32768xf32, #tpu.memory_space<vmem>>)
    %add3A_873 = arith.constant 0 : i32
    %add3A_874 = arith.addi %mul3A_2, %add3A_873 : i32
    %dma_start3A_875 = tpu.memref_slice %arg9[%add3A_874] : memref<4194304xf32, #tpu.memory_space<hbm>> -> memref<32768xf32, #tpu.memory_space<hbm>>
    %dma_start3A_876 = tpu.memref_slice %arg9[%add3A_874] : memref<4194304xf32, #tpu.memory_space<hbm>> -> memref<32768xf32, #tpu.memory_space<hbm>>
    tpu.enqueue_dma source(%arg16 : memref<32768xf32, #tpu.memory_space<vmem>>) target(%dma_start3A_876 : memref<32768xf32, #tpu.memory_space<hbm>>) target_semaphore(%arg22 : memref<!tpu.dma_semaphore, #tpu.memory_space<semaphore_mem>>)
    %dma_wait3A_877 = tpu.memref_slice %arg9[%add3A_874] : memref<4194304xf32, #tpu.memory_space<hbm>> -> memref<32768xf32, #tpu.memory_space<hbm>>
    %dma_wait3A_878 = tpu.memref_slice %arg9[%add3A_874] : memref<4194304xf32, #tpu.memory_space<hbm>> -> memref<32768xf32, #tpu.memory_space<hbm>>
    tpu.wait_dma2 semaphore(%arg22 : memref<!tpu.dma_semaphore, #tpu.memory_space<semaphore_mem>>) src(%arg16 : memref<32768xf32, #tpu.memory_space<vmem>>) dst(%dma_wait3A_878 : memref<32768xf32, #tpu.memory_space<hbm>>)
    %add3A_879 = arith.constant 98304 : i32
    %add3A_880 = arith.addi %mul3A_2, %add3A_879 : i32
    %dma_start3A_881 = tpu.memref_slice %arg7[%add3A_880] : memref<4194304xf32, #tpu.memory_space<hbm>> -> memref<32768xf32, #tpu.memory_space<hbm>>
    %dma_start3A_882 = tpu.memref_slice %arg7[%add3A_880] : memref<4194304xf32, #tpu.memory_space<hbm>> -> memref<32768xf32, #tpu.memory_space<hbm>>
    tpu.enqueue_dma source(%dma_start3A_882 : memref<32768xf32, #tpu.memory_space<hbm>>) target(%arg16 : memref<32768xf32, #tpu.memory_space<vmem>>) target_semaphore(%arg21 : memref<!tpu.dma_semaphore, #tpu.memory_space<semaphore_mem>>)
    %dma_wait3A_883 = tpu.memref_slice %arg7[%add3A_7] : memref<4194304xf32, #tpu.memory_space<hbm>> -> memref<32768xf32, #tpu.memory_space<hbm>>
    %dma_wait3A_884 = tpu.memref_slice %arg7[%add3A_7] : memref<4194304xf32, #tpu.memory_space<hbm>> -> memref<32768xf32, #tpu.memory_space<hbm>>
    tpu.wait_dma2 semaphore(%arg21 : memref<!tpu.dma_semaphore, #tpu.memory_space<semaphore_mem>>) src(%dma_wait3A_884 : memref<32768xf32, #tpu.memory_space<hbm>>) dst(%arg17 : memref<32768xf32, #tpu.memory_space<vmem>>)
    %add3A_885 = arith.constant 32768 : i32
    %add3A_886 = arith.addi %mul3A_2, %add3A_885 : i32
    %dma_start3A_887 = tpu.memref_slice %arg9[%add3A_886] : memref<4194304xf32, #tpu.memory_space<hbm>> -> memref<32768xf32, #tpu.memory_space<hbm>>
    %dma_start3A_888 = tpu.memref_slice %arg9[%add3A_886] : memref<4194304xf32, #tpu.memory_space<hbm>> -> memref<32768xf32, #tpu.memory_space<hbm>>
    tpu.enqueue_dma source(%arg17 : memref<32768xf32, #tpu.memory_space<vmem>>) target(%dma_start3A_888 : memref<32768xf32, #tpu.memory_space<hbm>>) target_semaphore(%arg22 : memref<!tpu.dma_semaphore, #tpu.memory_space<semaphore_mem>>)
    %dma_wait3A_889 = tpu.memref_slice %arg7[%add3A_11] : memref<4194304xf32, #tpu.memory_space<hbm>> -> memref<32768xf32, #tpu.memory_space<hbm>>
    %dma_wait3A_890 = tpu.memref_slice %arg7[%add3A_11] : memref<4194304xf32, #tpu.memory_space<hbm>> -> memref<32768xf32, #tpu.memory_space<hbm>>
    tpu.wait_dma2 semaphore(%arg21 : memref<!tpu.dma_semaphore, #tpu.memory_space<semaphore_mem>>) src(%dma_wait3A_890 : memref<32768xf32, #tpu.memory_space<hbm>>) dst(%arg18 : memref<32768xf32, #tpu.memory_space<vmem>>)
    %add3A_891 = arith.constant 65536 : i32
    %add3A_892 = arith.addi %mul3A_2, %add3A_891 : i32
    %dma_start3A_893 = tpu.memref_slice %arg9[%add3A_892] : memref<4194304xf32, #tpu.memory_space<hbm>> -> memref<32768xf32, #tpu.memory_space<hbm>>
    %dma_start3A_894 = tpu.memref_slice %arg9[%add3A_892] : memref<4194304xf32, #tpu.memory_space<hbm>> -> memref<32768xf32, #tpu.memory_space<hbm>>
    tpu.enqueue_dma source(%arg18 : memref<32768xf32, #tpu.memory_space<vmem>>) target(%dma_start3A_894 : memref<32768xf32, #tpu.memory_space<hbm>>) target_semaphore(%arg22 : memref<!tpu.dma_semaphore, #tpu.memory_space<semaphore_mem>>)
    %dma_wait3A_895 = tpu.memref_slice %arg7[%add3A_880] : memref<4194304xf32, #tpu.memory_space<hbm>> -> memref<32768xf32, #tpu.memory_space<hbm>>
    %dma_wait3A_896 = tpu.memref_slice %arg7[%add3A_880] : memref<4194304xf32, #tpu.memory_space<hbm>> -> memref<32768xf32, #tpu.memory_space<hbm>>
    tpu.wait_dma2 semaphore(%arg21 : memref<!tpu.dma_semaphore, #tpu.memory_space<semaphore_mem>>) src(%dma_wait3A_896 : memref<32768xf32, #tpu.memory_space<hbm>>) dst(%arg16 : memref<32768xf32, #tpu.memory_space<vmem>>)
    %add3A_897 = arith.constant 98304 : i32
    %add3A_898 = arith.addi %mul3A_2, %add3A_897 : i32
    %dma_start3A_899 = tpu.memref_slice %arg9[%add3A_898] : memref<4194304xf32, #tpu.memory_space<hbm>> -> memref<32768xf32, #tpu.memory_space<hbm>>
    %dma_start3A_900 = tpu.memref_slice %arg9[%add3A_898] : memref<4194304xf32, #tpu.memory_space<hbm>> -> memref<32768xf32, #tpu.memory_space<hbm>>
    tpu.enqueue_dma source(%arg16 : memref<32768xf32, #tpu.memory_space<vmem>>) target(%dma_start3A_900 : memref<32768xf32, #tpu.memory_space<hbm>>) target_semaphore(%arg22 : memref<!tpu.dma_semaphore, #tpu.memory_space<semaphore_mem>>)
    %dma_wait3A_901 = tpu.memref_slice %arg9[%add3A_886] : memref<4194304xf32, #tpu.memory_space<hbm>> -> memref<32768xf32, #tpu.memory_space<hbm>>
    %dma_wait3A_902 = tpu.memref_slice %arg9[%add3A_886] : memref<4194304xf32, #tpu.memory_space<hbm>> -> memref<32768xf32, #tpu.memory_space<hbm>>
    tpu.wait_dma2 semaphore(%arg22 : memref<!tpu.dma_semaphore, #tpu.memory_space<semaphore_mem>>) src(%arg17 : memref<32768xf32, #tpu.memory_space<vmem>>) dst(%dma_wait3A_902 : memref<32768xf32, #tpu.memory_space<hbm>>)
    %dma_wait3A_903 = tpu.memref_slice %arg9[%add3A_892] : memref<4194304xf32, #tpu.memory_space<hbm>> -> memref<32768xf32, #tpu.memory_space<hbm>>
    %dma_wait3A_904 = tpu.memref_slice %arg9[%add3A_892] : memref<4194304xf32, #tpu.memory_space<hbm>> -> memref<32768xf32, #tpu.memory_space<hbm>>
    tpu.wait_dma2 semaphore(%arg22 : memref<!tpu.dma_semaphore, #tpu.memory_space<semaphore_mem>>) src(%arg18 : memref<32768xf32, #tpu.memory_space<vmem>>) dst(%dma_wait3A_904 : memref<32768xf32, #tpu.memory_space<hbm>>)
    %dma_wait3A_905 = tpu.memref_slice %arg9[%add3A_898] : memref<4194304xf32, #tpu.memory_space<hbm>> -> memref<32768xf32, #tpu.memory_space<hbm>>
    %dma_wait3A_906 = tpu.memref_slice %arg9[%add3A_898] : memref<4194304xf32, #tpu.memory_space<hbm>> -> memref<32768xf32, #tpu.memory_space<hbm>>
    tpu.wait_dma2 semaphore(%arg22 : memref<!tpu.dma_semaphore, #tpu.memory_space<semaphore_mem>>) src(%arg16 : memref<32768xf32, #tpu.memory_space<vmem>>) dst(%dma_wait3A_906 : memref<32768xf32, #tpu.memory_space<hbm>>)
    %dma_wait3A_907 = arith.constant 0 : i32
    %dma_wait3A_908 = arith.constant 0 : i32
    %dma_wait3A_909 = tpu.memref_slice %arg8[%dma_wait3A_907, %add3A_862, %dma_wait3A_908] : memref<15x32x128xf32, #tpu.memory_space<hbm>> -> memref<15x1x128xf32, #tpu.memory_space<hbm>>
    %dma_wait3A_910 = tpu.memref_squeeze %dma_wait3A_909 : memref<15x1x128xf32, #tpu.memory_space<hbm>> -> memref<15x128xf32, #tpu.memory_space<hbm>>
    %dma_wait3A_911 = arith.constant 0 : i32
    %dma_wait3A_912 = arith.constant 0 : i32
    %dma_wait3A_913 = tpu.memref_slice %arg8[%dma_wait3A_911, %add3A_862, %dma_wait3A_912] : memref<15x32x128xf32, #tpu.memory_space<hbm>> -> memref<15x1x128xf32, #tpu.memory_space<hbm>>
    %dma_wait3A_914 = tpu.memref_squeeze %dma_wait3A_913 : memref<15x1x128xf32, #tpu.memory_space<hbm>> -> memref<15x128xf32, #tpu.memory_space<hbm>>
    tpu.wait_dma2 semaphore(%arg20 : memref<!tpu.dma_semaphore, #tpu.memory_space<semaphore_mem>>) src(%arg15 : memref<15x128xf32, #tpu.memory_space<vmem>>) dst(%dma_wait3A_914 : memref<15x128xf32, #tpu.memory_space<hbm>>)
    return
  }
}

</mosaic_0001>

<sc_bundles>
// kernel: kernel.3.cloned.1.call-start
scs
__scs_entry_jumppad:
0x0: {  	(pc) =	sbr.rel $0x88, $3  }
0x1: {  	(tag) =	ssettag $0x0;
	lr =	simm.s32 $0x1  }
0x2: {  	[smem:$0x3F9B] =	sst lr;
	_ =	strace $0xD0000000  }
0x3: {  	_ = 	snop  }
0x4: {  	_ = 	snop  }
0x5: {  	_ = 	snop  }
0x6: {  	_ = 	snop  }
0x7: {  	_ = 	snop  }
__scs_overlays_trampoline_lowered:
0x8: {  	[smem:$0x3FAA] =	sst s0  }
0x9: {  	[smem:$0x3FAB] =	sst s1  }
0xa: {  	[smem:$0x3FAC] =	sst s2  }
0xb: {  	[smem:$0x3FAD] =	sst s3  }
0xc: {  	[smem:$0x3FAE] =	sst s4  }
0xd: {  	[smem:$0x3FAF] =	sst s5  }
0xe: {  	[smem:$0x3FB0] =	sst s6  }
0xf: {  	[smem:$0x3FB1] =	sst s7  }
0x10: {  	[smem:$0x3FB2] =	sst s8  }
0x11: {  	[smem:$0x3FB3] =	sst s9;
	s0 =	simm.s32 @!p0 $0x0  }
0x12: {  	s1 =	sld [smem:$0x3F99];
	s0 =	simm.s32 @p0 $0x1  }
0x13: {  	[smem:$0x3FB4] =	sst s0;
	s0 =	simm.s32 @!p1 $0x0  }
0x14: {  	s2 =	sld [smem:$0x3F98];
	s0 =	simm.s32 @p1 $0x1  }
0x15: {  	[smem:$0x3FB5] =	sst s0;
	s0 =	simm.s32 @!p2 $0x0  }
0x16: {  	s3 =	sld [smem:$0x3FDB];
	s0 =	simm.s32 @p2 $0x1  }
0x17: {  	s4 =	simm.s32 $0x1BF5;
	[smem:$0x3FB7] =	sst s0  }
0x18: {  	s0 =	sld [smem:$0x3F9A];
	_ =	swait.ge [sflag:s4], $0x0  }
0x19: {  	s7 =	sld [smem:$0x3F9B]  }
0x1a: {  	s8 =	sadd.s32 $0xFFFFE003, lr  }
0x1b: {  	s9 =	sadd.s32 $0xFFFFFEF7, lr;
	s5 =	simm.s32 $0xFFFFFFFF;
	p2 =	slt.u32 s8, $0xFFFFF086  }
0x1c: {  	p1 =	slt.u32 s9, $0xF7A;
	s5 =	simm.s32 @!p2 $0x0  }
0x1d: {  	s5 =	simm.s32 @p1 $0x1;
	p0 =	seq.s32 s7, s2  }
0x1e: {  	s7 =	smul.u32 @!p0 $0xF7A, s2;
	p2 =	seq.s32 @!p0 s5, $0x0  }
0x1f: {  	s9 =	smul.u32 $0xF7A, s1;
	s8 =	simm.s32 @!p0 $0x1BF5;
	p2 =	por !p2, p0  }
0x20: {  	[sflag:s8] =	ssyncset.s32 @!p0 $0xFFFFF086;
	s6 =	sadd.s32 @!p0 s3, s7;
	s7 =	simm.s32 @!p0 $0x108  }
0x21: {  	s3 =	sadd.s32 s3, s9;
	s6 =	sadd.s32 @!p0 $0x88, s6;
	s7 =	simm.s32 @p2 $0x1082  }
0x22: {  	[simem:s7], [sflag:s8] =	dma.local @!p0 [hbm:s6], $0xF7A  }
0x23: {  	s9 =	sor.u32 $0xD0000000, s2;
	s6 =	simm.s32 $0x108;
	_ =	swait.ge @!p0 [sflag:s8], $0x0  }
0x24: {  	s3 =	sadd.s32 $0x88, s3;
	s6 =	simm.s32 @!p1 $0x1082;
	[sflag:s4] =	ssyncset.s32 $0xFFFFF086  }
0x25: {  	[simem:s6], [sflag:s4] =	dma.local [hbm:s3], $0xF7A  }
0x26: {  	[smem:$0x3F9B] =	sst s1;
	(tag) =	ssettag s2;
	_ =	strace s9  }
0x27: {  	s1 =	sld [smem:$0x3FAB]  }
0x28: {  	s2 =	sld [smem:$0x3FAC]  }
0x29: {  	s4 =	sld [smem:$0x3FAE]  }
0x2a: {  	p0 =	seq.s32 s5, $0x0;
	s5 =	sld [smem:$0x3FAF]  }
0x2b: {  	s6 =	sld [smem:$0x3FB0]  }
0x2c: {  	s7 =	sld [smem:$0x3FB1]  }
0x2d: {  	s3 =	simm.s32 $0x108;
	s8 =	sld [smem:$0x3FB2]  }
0x2e: {  	s3 =	simm.s32 @!p0 $0x1082;
	s9 =	sld [smem:$0x3FB3]  }
0x2f: {  	lr =	sadd.s32 s0, s3;
	s0 =	sld [smem:$0x3FAA]  }
0x30: {  	s3 =	sld [smem:$0x3FAD]  }
0x31: {  	[smem:$0x3FB6] =	sst s10  }
0x32: {  	s10 =	sld [smem:$0x3FB4];
	_ =	sdelay $0x3  }
0x33: {  	p0 =	seq.s32 s10, $0x1;
	s10 =	sld [smem:$0x3FB6];
	_ =	sdelay $0x3  }
0x34: {  	[smem:$0x3FB6] =	sst s10  }
0x35: {  	s10 =	sld [smem:$0x3FB5];
	_ =	sdelay $0x3  }
0x36: {  	p1 =	seq.s32 s10, $0x1;
	s10 =	sld [smem:$0x3FB6];
	_ =	sdelay $0x3  }
0x37: {  	[smem:$0x3FB6] =	sst s10  }
0x38: {  	s10 =	sld [smem:$0x3FB7]  }
0x39: {  	_ = 	snop;
	(pc) =	sbr.ind lr, $3  }
0x3a: {  	_ = 	snop  }
0x3b: {  	_ = 	snop  }
0x3c: {  	p2 =	seq.s32 s10, $0x1;
	s10 =	sld [smem:$0x3FB6]  }
0x3d: {  	_ =	shalt  }
0x3e: {  	_ =	shalt  }
0x3f: {  	_ =	shalt  }
0x40: {  	_ =	shalt  }
0x41: {  	_ =	shalt  }
0x42: {  	_ =	shalt  }
0x43: {  	_ =	shalt  }
0x44: {  	_ =	shalt  }
0x45: {  	_ =	shalt  }
0x46: {  	_ =	shalt  }
0x47: {  	_ =	shalt  }
0x48: {  	_ =	shalt  }
0x49: {  	_ =	shalt  }
0x4a: {  	_ =	shalt  }
0x4b: {  	_ =	shalt  }
0x4c: {  	_ =	shalt  }
0x4d: {  	_ =	shalt  }
0x4e: {  	_ =	shalt  }
0x4f: {  	_ =	shalt  }
0x50: {  	_ =	shalt  }
0x51: {  	_ =	shalt  }
0x52: {  	_ =	shalt  }
0x53: {  	_ =	shalt  }
0x54: {  	_ =	shalt  }
0x55: {  	_ =	shalt  }
0x56: {  	_ =	shalt  }
0x57: {  	_ =	shalt  }
0x58: {  	_ =	shalt  }
0x59: {  	_ =	shalt  }
0x5a: {  	_ =	shalt  }
0x5b: {  	_ =	shalt  }
0x5c: {  	_ =	shalt  }
0x5d: {  	_ =	shalt  }
0x5e: {  	_ =	shalt  }
0x5f: {  	_ =	shalt  }
0x60: {  	_ =	shalt  }
0x61: {  	_ =	shalt  }
0x62: {  	_ =	shalt  }
0x63: {  	_ =	shalt  }
0x64: {  	_ =	shalt  }
0x65: {  	_ =	shalt  }
0x66: {  	_ =	shalt  }
0x67: {  	_ =	shalt  }
0x68: {  	_ =	shalt  }
0x69: {  	_ =	shalt  }
0x6a: {  	_ =	shalt  }
0x6b: {  	_ =	shalt  }
0x6c: {  	_ =	shalt  }
0x6d: {  	_ =	shalt  }
0x6e: {  	_ =	shalt  }
0x6f: {  	_ =	shalt  }
0x70: {  	_ =	shalt  }
0x71: {  	_ =	shalt  }
0x72: {  	_ =	shalt  }
0x73: {  	_ =	shalt  }
0x74: {  	_ =	shalt  }
0x75: {  	_ =	shalt  }
0x76: {  	_ =	shalt  }
0x77: {  	_ =	shalt  }
0x78: {  	_ =	shalt  }
0x79: {  	_ =	shalt  }
0x7a: {  	_ =	shalt  }
0x7b: {  	_ =	shalt  }
0x7c: {  	_ =	shalt  }
0x7d: {  	_ =	shalt  }
0x7e: {  	_ =	shalt  }
0x7f: {  	_ =	shalt  }
0x80: {  	_ =	shalt  }
0x81: {  	_ =	shalt  }
0x82: {  	_ =	shalt  }
0x83: {  	_ =	shalt  }
0x84: {  	_ =	shalt  }
0x85: {  	_ =	shalt  }
0x86: {  	_ =	shalt  }
0x87: {  	_ =	shalt  }
.Lfunc_end0:
.L_simem_size_0:
called_computation_lowered:
.L_overlay_start_0:
0x88: {  	s2 =	sld [smem:$0x3FD9]  }
0x89: {  	s3 =	sld [smem:$0x3FFE];
	_ =	sdelay $0x1  }
0x8a: {  	s1 =	srdreg.scid  }
0x8b: {  	s0 =	sand.u32 $0x1, s1  }
0x8c: {  	s15 =	sshll.u32 s0, $0xA;
	s2 =	sadd.s32 s3, s2  }
0x8d: {  	s2 =	sadd.s32 s2, s15  }
0x8e: {  	[smem:$0x3FC2] =	sst s2  }
0x8f: {  	_ = 	snop  }
0x90: {  	s2 =	sld [smem:$0x3FC9]  }
0x91: {  	s16 =	sld [smem:$0x3FC8]  }
0x92: {  	s4 =	sld [smem:$0x3FC7]  }
0x93: {  	s5 =	sld [smem:$0x3FD0]  }
0x94: {  	s6 =	sld [smem:$0x3FC6]  }
0x95: {  	s7 =	sld [smem:$0x3FC5]  }
0x96: {  	s9 =	simm.s32 $0xA;
	s10 =	simm.s32 $0x10;
	s8 =	sld [smem:$0x3FC4]  }
0x97: {  	[smem:s10], [sflag:s9] =	dma.local [hbm:s5], $0x1  }
0x98: {  	_ =	swait.eq [sflag:s9], $0x1  }
0x99: {  	[sflag:s9] =	ssyncset.done $0x0  }
0x9a: {  	s17 =	sld [smem:$0x10];
	[sflag:s9] =	ssyncadd.s32 $0xFFFFFFFF  }
0x9b: {  	s18 =	sld [smem:$0x11];
	(tm) =	ssettm $0x1  }
0x9c: {  	s19 =	sld [smem:$0x3FFB];
	_ =	sdelay $0x3  }
0x9d: {  	_ =	strace s19  }
0x9e: {  	s10 =	sld [smem:$0x3FFC];
	_ =	sdelay $0x3  }
0x9f: {  	_ =	strace s10  }
0xa0: {  	s10 =	sld [smem:$0x3FFD];
	_ =	sdelay $0x3  }
0xa1: {  	_ =	strace s10  }
0xa2: {  	_ =	strace $0x8FFFFFFF  }
0xa3: {  	s20 =	sld [smem:$0x3FDB];
	_ =	sdelay $0x1  }
0xa4: {  	s11 =	simm.s32 $_scs_section_size  }
0xa5: {  	s12 =	simm.s32 $_size__tile_overlayer_lowered;
	s13 =	simm.s32 $_tile_overlayer_lowered  }
0xa6: {  	s23 =	simm.s32 $0x1BFF;
	s22 =	sshll.u32 s13, $0x1;
	s10 =	sadd.s32 s11, s20  }
0xa7: {  	s14 =	simm.s32 $0x0;
	s21 =	sshll.u32 s12, $0x1;
	s12 =	sadd.s32 s22, s10  }
0xa8: {  	[timem:s14], [sflag:s23] =	dma.local [hbm:s12], s21  }
0xa9: {  	_ =	swait.ge [sflag:s23], s21  }
0xaa: {  	s11 =	ssub.s32 $0x0, s21;
	[sflag:s23] =	ssyncset.done $0x0  }
0xab: {  	[sflag:s23] =	ssyncadd.s32 s11;
	_ =	sdelay $0x1  }
0xac: {  	s24 =	simm.s32 $0x1B8B  }
0xad: {  	_ =	swait.ge [sflag:s24], $0x1  }
0xae: {  	[sflag:s24] =	ssyncset.done $0x0  }
0xaf: {  	s25 =	simm.s32 $0x1B8E;
	[sflag:s24] =	ssyncadd.s32 $0xFFFFFFFF  }
0xb0: {  	s26 =	simm.s32 $execute0_lowered;
	[smem:$0x3FD2] =	sst s25  }
0xb1: {  	s11 =	sshll.u32 s26, $0x1;
	_ =	strace $0x80000046;
	[dreg:$0x1] =	wrdreg $0xFFFFFFFF  }
0xb2: {  	s28 =	simm.s32 $_size_execute0_lowered;
	s10 =	sadd.s32 s10, s11;
	[dreg:$0x0] =	wrdreg $0x0  }
0xb3: {  	s11 =	sshll.u32 s28, $0x1;
	[dreg:$0x2] =	wrdreg s10  }
0xb4: {  	[dreg:$0x3] =	wrdreg s11  }
0xb5: {  	[dreg:$0x4] =	wrdreg $0xC0  }
0xb6: {  	_ =	task [dreg:s14], $0x5FFFF  }
0xb7: {  	[dreg:$0x1] =	wrdreg $0xFFFFFFFF  }
0xb8: {  	[dreg:$0x0] =	wrdreg $0x60  }
0xb9: {  	[dreg:$0x2] =	wrdreg s16  }
0xba: {  	[dreg:$0x3] =	wrdreg s4  }
0xbb: {  	[dreg:$0x4] =	wrdreg s6  }
0xbc: {  	[dreg:$0x5] =	wrdreg s7  }
0xbd: {  	[dreg:$0x6] =	wrdreg s2  }
0xbe: {  	[dreg:$0x7] =	wrdreg s8  }
0xbf: {  	[dreg:$0x8] =	wrdreg s17  }
0xc0: {  	[dreg:$0x9] =	wrdreg s18  }
0xc1: {  	[dreg:$0xa] =	wrdreg $0x9  }
0xc2: {  	_ =	task.clear_ibuf [dreg:s14], $0xBFFFF;
	_ =	strace $0x90000046  }
0xc3: {  	s29 =	simm.s32 $0x9;
	_ =	strace $0x80000048  }
0xc4: {  	_ =	swait.ge [sflag:s29], $0x1  }
0xc5: {  	[sflag:s29] =	ssyncadd.s32 $0xFFFFFFFF  }
0xc6: {  	_ =	strace $0x90000048  }
0xc7: {  	_ =	sfence  }
0xc8: {  	s30 =	sld [smem:$0x0];
	_ =	sdelay $0x2  }
0xc9: {  	s31 =	sshll.u32 s1, $0xD;
	s1 =	sshrl.u32 s1, $0x2  }
0xca: {  	s3 =	sand.u32 $0x4000, s31;
	s1 =	sadd.s32 s1, s30  }
0xcb: {  	s0 =	sor.u32 s3, s0;
	s1 =	sshll.u32 s1, $0x11  }
0xcc: {  	s0 =	sor.u32 s1, s0  }
0xcd: {  	s0 =	sadd.s32 $0x8F2B, s0  }
0xce: {  	[sflag:s0] =	ssyncadd.remote.s32 $0x1  }
0xcf: {  	_ =	sfence.sel $0xFFFF  }
0xd0: {  	[dreg:$0x0] =	wrdreg $0xFFFFFFFF;
	(pc) =	sbr.abs _section_cstart, $3  }
0xd1: {  	[dreg:$0x1] =	wrdreg $0xFFFFFFFF  }
0xd2: {  	_ =	task.clear_ibuf [dreg:s14], $0x2FFFF;
	_ =	strace $0x9FFFFFFF  }
0xd3: {  	(tm) =	ssettm $0x7FFFFFFF  }
tec
execute0_lowered:
.L_overlay_start_1:
0x0: {  	(tag) =	ssettag $0x1  }
0x1: {  	s7 =	rddreg [dreg:$0x0]  }
0x2: {  	s8 =	rddreg [dreg:$0x1]  }
0x3: {  	s9 =	rddreg [dreg:$0x2]  }
0x4: {  	s10 =	rddreg [dreg:$0x3]  }
0x5: {  	s14 =	rddreg [dreg:$0x5]  }
0x6: {  	s1 =	srdreg.scid;
	s12 =	rddreg [dreg:$0x6]  }
0x7: {  	s0 =	stileid.u32;
	s17 =	rddreg [dreg:$0x7]  }
0x8: {  	s4 =	simm.s32 $0x1;
	s3 =	simm.s32 $0x0;
	s28 =	simm.s32 $0x1000  }
0x9: {  	s29 =	simm.s32 $0x3;
	s30 =	simm.s32 $0x4;
	s31 =	simm.s32 $0x2  }
0xa: {  	s11 =	sand.u32 $0x1, s1;
	s2 =	sshll.u32 s0, $0x1;
	s1 =	rddreg [dreg:$0x4]  }
0xb: {  	[smem:$0x7FF] =	sst s3;
	s19 =	sor.u32 s11, s2;
	p1 =	seq.s32 s11, $0x1  }
0xc: {  	s2 =	rddreg [dreg:$0x8];
	s5 =	ssub.s32 $0x2, s11;
	_ =	strace $0x80000047  }
0xd: {  	s20 =	sshll.u32 s11, $0x7;
	s11 =	sshll.u32 s11, $0xA;
	p0 =	seq.s32 s19, $0x0  }
0xe: {  	s23 =	sshrl.u32 s5, $0x1;
	s13 =	sshll.u32 s19, $0xE;
	s22 =	sor.u32 $0x10, s20  }
0xf: {  	s25 =	sor.u32 $0x40, s20;
	s26 =	sor.u32 $0x50, s20;
	p0 =	por !p0, !p1  }
0x10: {  	s19 =	sshll.u32 s19, $0x4;
	s18 =	ssub.s32 s5, s23;
	p0 =	por !p0, !p0  }
0x11: {  	v41 =	vlaneseq.u32;
	s16 =	sor.u32 $0x2000, s13;
	s23 =	sor.u32 $0x20, s20;
	s4 =	simm.s32 @!p0 $0x0  }
0x12: {  	v1 =	vor.u32 s22, v41;
	s22 =	sor.u32 $0x60, s20;
	s7 =	sadd.s32 s7, s19;
	s6 =	ssub.s32 s0, s4  }
0x13: {  	s8 =	sadd.s32 s8, s19;
	s9 =	sadd.s32 s9, s19;
	s15 =	sand.u32 $0xE0, s6  }
0x14: {  	v9 =	vimm.f32 $0.0e+00;
	v6 =	vor.u32 s26, v41;
	s10 =	sadd.s32 s10, s19;
	s26 =	sor.u32 $0x3000, s13;
	s24 =	sshrl.u32 s15, $0x5  }
0x15: {  	v10 =	vor.u32 $0xFFFFFB00, v41;
	v11 =	vor.u32 $0xFFFFFA00, v41;
	s19 =	simm.s32 $0xA80;
	v2 =	vor.u32 s23, v41;
	s23 =	simm.s32 $0x1;
	s5 =	sadd.s32 s24, s6  }
0x16: {  	v12 =	vor.u32 $0xFFFFF600, v41;
	v13 =	vor.u32 $0xFFFFF280, v41;
	v7 =	vor.u32 s22, v41;
	s18 =	smax.u32 s18, $0x1;
	s22 =	simm.s32 $0x80;
	s21 =	sand.u32 $0xFFFFFFF8, s5  }
0x17: {  	v14 =	vor.u32 $0xFFFFFB10, v41;
	v15 =	vor.u32 $0xFFFFFA10, v41;
	v16 =	vor.u32 $0xFFFFF610, v41;
	s4 =	sadd.s32 s14, s13;
	p5 =	slt.s32 s6, $0x1;
	s21 =	ssub.s32 s6, s21  }
0x18: {  	v17 =	vor.u32 $0xFFFFF290, v41;
	v18 =	vor.u32 $0xFFFFFB20, v41;
	v19 =	vor.u32 $0xFFFFFA20, v41;
	s15 =	sor.u32 $0x1000, s13;
	s13 =	sadd.s32 s17, s13;
	p6 =	sne.s32 s21, $0x0  }
0x19: {  	v20 =	vor.u32 $0xFFFFF620, v41;
	v21 =	vor.u32 $0xFFFFF2A0, v41;
	v3 =	vor.u32 s20, v41;
	s24 =	sor.u32 $0x30, s20;
	s20 =	sor.u32 $0x70, s20;
	p0 =	por !p5, !p6  }
0x1a: {  	v22 =	vor.u32 $0xFFFFFB30, v41;
	v23 =	vor.u32 $0xFFFFFA30, v41;
	v5 =	vor.u32 s25, v41;
	s25 =	sshrl.u32 s5, $0x3;
	s5 =	sadd.s32 s14, s15;
	p0 =	por !p0, !p0  }
0x1b: {  	v24 =	vor.u32 $0xFFFFF630, v41;
	v25 =	vor.u32 $0xFFFFF2B0, v41;
	v0 =	vmov s6;
	s15 =	sadd.s32 s17, s15;
	s6 =	sadd.s32 s14, s16;
	s23 =	simm.s32 @!p0 $0x0  }
0x1c: {  	v26 =	vor.u32 $0xFFFFFB40, v41;
	v27 =	vor.u32 $0xFFFFFA40, v41;
	v28 =	vor.u32 $0xFFFFF640, v41;
	s14 =	sadd.s32 s14, s26;
	s16 =	sadd.s32 s17, s16;
	s23 =	ssub.s32 s25, s23  }
0x1d: {  	v29 =	vor.u32 $0xFFFFF2C0, v41;
	v30 =	vor.u32 $0xFFFFFB50, v41;
	v8 =	vor.u32 s20, v41;
	s17 =	sadd.s32 s17, s26;
	s21 =	sshll.u32 s21, $0x7;
	s20 =	sshll.u32 s23, $0xB  }
0x1e: {  	v31 =	vor.u32 $0xFFFFFA50, v41;
	v32 =	vor.u32 $0xFFFFF650, v41;
	v4 =	vor.u32 s24, v41;
	s26 =	simm.s32 $0x280;
	s24 =	sand.u32 $0x380, s21;
	s11 =	sor.u32 s11, s20  }
0x1f: {  	v33 =	vor.u32 $0xFFFFF2D0, v41;
	v34 =	vor.u32 $0xFFFFFB60, v41;
	v35 =	vor.u32 $0xFFFFFA60, v41;
	s21 =	simm.s32 $0x10A80;
	s23 =	simm.s32 $0x100;
	s11 =	sor.u32 s24, s11  }
0x20: {  	v36 =	vor.u32 $0xFFFFF660, v41;
	v37 =	vor.u32 $0xFFFFF2E0, v41;
	v38 =	vor.u32 $0xFFFFFB70, v41;
	s20 =	simm.s32 $0x8A80;
	s24 =	simm.s32 $0x180;
	s25 =	sshrl.u32 s11, $0x3  }
0x21: {  	v39 =	vor.u32 $0xFFFFFA70, v41;
	v40 =	vor.u32 $0xFFFFF670, v41;
	v41 =	vor.u32 $0xFFFFF2F0, v41;
	s11 =	simm.s32 $0x1;
	s12 =	sadd.s32 s12, s25;
	s25 =	simm.s32 $0x200  }
.LBB2_1:
0x22: {  	[tilespmem:s19], [sflag:$0x3] =	stream.linear.gather [hbm4b:s4+s3], $0x8000, $0x38;
	[tilespmem:$0x18A80] =	vst v63  }
0x23: {  	_ = 	snop  }
0x24: {  	[tilespmem:s20], [sflag:$0x3] =	stream.linear.gather [hbm4b:s5+s3], $0x8000, $0x38;
	[tilespmem:$0x18A80] =	vst v63  }
0x25: {  	_ = 	snop  }
0x26: {  	[tilespmem:s21], [sflag:$0x3] =	stream.linear.gather [hbm4b:s6+s3], $0x8000, $0x38;
	[tilespmem:$0x18A80] =	vst v63  }
0x27: {  	_ = 	snop  }
0x28: {  	[tilespmem:s3], [sflag:$0x1] =	stream.linear.gather [hbm4b:s7+s3], $0x80, $0x38;
	[tilespmem:$0x18A80] =	vst v63  }
0x29: {  	_ = 	snop  }
0x2a: {  	[tilespmem:s22], [sflag:$0x1] =	stream.linear.gather [hbm4b:s8+s3], $0x80, $0x38;
	[tilespmem:$0x18A80] =	vst v63  }
0x2b: {  	_ = 	snop  }
0x2c: {  	[tilespmem:s23], [sflag:$0x1] =	stream.linear.gather [hbm4b:s9+s3], $0x80, $0x38;
	[tilespmem:$0x18A80] =	vst v63  }
0x2d: {  	_ = 	snop  }
0x2e: {  	[tilespmem:s24], [sflag:$0x1] =	stream.linear.gather [hbm4b:s10+s3], $0x80, $0x38;
	[tilespmem:$0x18A80] =	vst v63  }
0x2f: {  	_ = 	snop  }
0x30: {  	[tilespmem:s25], [sflag:$0x1] =	stream.linear.gather [hbm4b:s1+s3], $0x80, $0x38;
	[tilespmem:$0x18A80] =	vst v63  }
0x31: {  	[tilespmem:$0x280] =	vst v9  }
0x32: {  	[tilespmem:$0x290] =	vst v9  }
0x33: {  	[tilespmem:$0x2A0] =	vst v9  }
0x34: {  	[tilespmem:$0x2B0] =	vst v9  }
0x35: {  	[tilespmem:$0x2C0] =	vst v9  }
0x36: {  	[tilespmem:$0x2D0] =	vst v9  }
0x37: {  	[tilespmem:$0x2E0] =	vst v9  }
0x38: {  	[tilespmem:$0x2F0] =	vst v9  }
0x39: {  	[tilespmem:$0x300] =	vst v9  }
0x3a: {  	[tilespmem:$0x310] =	vst v9  }
0x3b: {  	[tilespmem:$0x320] =	vst v9  }
0x3c: {  	[tilespmem:$0x330] =	vst v9  }
0x3d: {  	[tilespmem:$0x340] =	vst v9  }
0x3e: {  	[tilespmem:$0x350] =	vst v9  }
0x3f: {  	[tilespmem:$0x360] =	vst v9  }
0x40: {  	[tilespmem:$0x370] =	vst v9  }
0x41: {  	[tilespmem:$0x380] =	vst v9  }
0x42: {  	[tilespmem:$0x390] =	vst v9  }
0x43: {  	[tilespmem:$0x3A0] =	vst v9  }
0x44: {  	[tilespmem:$0x3B0] =	vst v9  }
0x45: {  	[tilespmem:$0x3C0] =	vst v9  }
0x46: {  	[tilespmem:$0x3D0] =	vst v9  }
0x47: {  	[tilespmem:$0x3E0] =	vst v9  }
0x48: {  	[tilespmem:$0x3F0] =	vst v9  }
0x49: {  	[tilespmem:$0x400] =	vst v9  }
0x4a: {  	[tilespmem:$0x410] =	vst v9  }
0x4b: {  	[tilespmem:$0x420] =	vst v9  }
0x4c: {  	[tilespmem:$0x430] =	vst v9  }
0x4d: {  	[tilespmem:$0x440] =	vst v9  }
0x4e: {  	[tilespmem:$0x450] =	vst v9  }
0x4f: {  	[tilespmem:$0x460] =	vst v9  }
0x50: {  	[tilespmem:$0x470] =	vst v9  }
0x51: {  	[tilespmem:$0x480] =	vst v9  }
0x52: {  	[tilespmem:$0x490] =	vst v9  }
0x53: {  	[tilespmem:$0x4A0] =	vst v9  }
0x54: {  	[tilespmem:$0x4B0] =	vst v9  }
0x55: {  	[tilespmem:$0x4C0] =	vst v9  }
0x56: {  	[tilespmem:$0x4D0] =	vst v9  }
0x57: {  	[tilespmem:$0x4E0] =	vst v9  }
0x58: {  	[tilespmem:$0x4F0] =	vst v9  }
0x59: {  	[tilespmem:$0x500] =	vst v9  }
0x5a: {  	[tilespmem:$0x510] =	vst v9  }
0x5b: {  	[tilespmem:$0x520] =	vst v9  }
0x5c: {  	[tilespmem:$0x530] =	vst v9  }
0x5d: {  	[tilespmem:$0x540] =	vst v9  }
0x5e: {  	[tilespmem:$0x550] =	vst v9  }
0x5f: {  	[tilespmem:$0x560] =	vst v9  }
0x60: {  	[tilespmem:$0x570] =	vst v9  }
0x61: {  	[tilespmem:$0x580] =	vst v9  }
0x62: {  	[tilespmem:$0x590] =	vst v9  }
0x63: {  	[tilespmem:$0x5A0] =	vst v9  }
0x64: {  	[tilespmem:$0x5B0] =	vst v9  }
0x65: {  	[tilespmem:$0x5C0] =	vst v9  }
0x66: {  	[tilespmem:$0x5D0] =	vst v9  }
0x67: {  	[tilespmem:$0x5E0] =	vst v9  }
0x68: {  	[tilespmem:$0x5F0] =	vst v9  }
0x69: {  	[tilespmem:$0x600] =	vst v9  }
0x6a: {  	[tilespmem:$0x610] =	vst v9  }
0x6b: {  	[tilespmem:$0x620] =	vst v9  }
0x6c: {  	[tilespmem:$0x630] =	vst v9  }
0x6d: {  	[tilespmem:$0x640] =	vst v9  }
0x6e: {  	[tilespmem:$0x650] =	vst v9  }
0x6f: {  	[tilespmem:$0x660] =	vst v9  }
0x70: {  	[tilespmem:$0x670] =	vst v9  }
0x71: {  	[tilespmem:$0x680] =	vst v9  }
0x72: {  	[tilespmem:$0x690] =	vst v9  }
0x73: {  	[tilespmem:$0x6A0] =	vst v9  }
0x74: {  	[tilespmem:$0x6B0] =	vst v9  }
0x75: {  	[tilespmem:$0x6C0] =	vst v9  }
0x76: {  	[tilespmem:$0x6D0] =	vst v9  }
0x77: {  	[tilespmem:$0x6E0] =	vst v9  }
0x78: {  	[tilespmem:$0x6F0] =	vst v9  }
0x79: {  	[tilespmem:$0x700] =	vst v9  }
0x7a: {  	[tilespmem:$0x710] =	vst v9  }
0x7b: {  	[tilespmem:$0x720] =	vst v9  }
0x7c: {  	[tilespmem:$0x730] =	vst v9  }
0x7d: {  	[tilespmem:$0x740] =	vst v9  }
0x7e: {  	[tilespmem:$0x750] =	vst v9  }
0x7f: {  	[tilespmem:$0x760] =	vst v9  }
0x80: {  	[tilespmem:$0x770] =	vst v9  }
0x81: {  	[tilespmem:$0x780] =	vst v9  }
0x82: {  	[tilespmem:$0x790] =	vst v9  }
0x83: {  	[tilespmem:$0x7A0] =	vst v9  }
0x84: {  	[tilespmem:$0x7B0] =	vst v9  }
0x85: {  	[tilespmem:$0x7C0] =	vst v9  }
0x86: {  	[tilespmem:$0x7D0] =	vst v9  }
0x87: {  	[tilespmem:$0x7E0] =	vst v9  }
0x88: {  	[tilespmem:$0x7F0] =	vst v9  }
0x89: {  	[tilespmem:$0x800] =	vst v9  }
0x8a: {  	[tilespmem:$0x810] =	vst v9  }
0x8b: {  	[tilespmem:$0x820] =	vst v9  }
0x8c: {  	[tilespmem:$0x830] =	vst v9  }
0x8d: {  	[tilespmem:$0x840] =	vst v9  }
0x8e: {  	[tilespmem:$0x850] =	vst v9  }
0x8f: {  	[tilespmem:$0x860] =	vst v9  }
0x90: {  	[tilespmem:$0x870] =	vst v9  }
0x91: {  	[tilespmem:$0x880] =	vst v9  }
0x92: {  	[tilespmem:$0x890] =	vst v9  }
0x93: {  	[tilespmem:$0x8A0] =	vst v9  }
0x94: {  	[tilespmem:$0x8B0] =	vst v9  }
0x95: {  	[tilespmem:$0x8C0] =	vst v9  }
0x96: {  	[tilespmem:$0x8D0] =	vst v9  }
0x97: {  	[tilespmem:$0x8E0] =	vst v9  }
0x98: {  	[tilespmem:$0x8F0] =	vst v9  }
0x99: {  	[tilespmem:$0x900] =	vst v9  }
0x9a: {  	[tilespmem:$0x910] =	vst v9  }
0x9b: {  	[tilespmem:$0x920] =	vst v9  }
0x9c: {  	[tilespmem:$0x930] =	vst v9  }
0x9d: {  	[tilespmem:$0x940] =	vst v9  }
0x9e: {  	[tilespmem:$0x950] =	vst v9  }
0x9f: {  	[tilespmem:$0x960] =	vst v9  }
0xa0: {  	[tilespmem:$0x970] =	vst v9  }
0xa1: {  	[tilespmem:$0x980] =	vst v9  }
0xa2: {  	[tilespmem:$0x990] =	vst v9  }
0xa3: {  	[tilespmem:$0x9A0] =	vst v9  }
0xa4: {  	[tilespmem:$0x9B0] =	vst v9  }
0xa5: {  	[tilespmem:$0x9C0] =	vst v9  }
0xa6: {  	[tilespmem:$0x9D0] =	vst v9  }
0xa7: {  	[tilespmem:$0x9E0] =	vst v9  }
0xa8: {  	[tilespmem:$0x9F0] =	vst v9  }
0xa9: {  	_ =	swait.ge [sflag:s11], $0x80  }
0xaa: {  	[sflag:s11] =	ssyncset.done $0x0  }
0xab: {  	[sflag:s11] =	ssyncadd.s32 $0xFFFFFF80  }
0xac: {  	_ =	swait.ge [sflag:s11], $0x80  }
0xad: {  	[sflag:s11] =	ssyncset.done $0x0  }
0xae: {  	[sflag:s11] =	ssyncadd.s32 $0xFFFFFF80  }
0xaf: {  	_ =	swait.ge [sflag:s11], $0x80  }
0xb0: {  	[sflag:s11] =	ssyncset.done $0x0  }
0xb1: {  	[sflag:s11] =	ssyncadd.s32 $0xFFFFFF80  }
0xb2: {  	_ =	swait.ge [sflag:s11], $0x80  }
0xb3: {  	[sflag:s11] =	ssyncset.done $0x0  }
0xb4: {  	[sflag:s11] =	ssyncadd.s32 $0xFFFFFF80  }
0xb5: {  	_ =	swait.ge [sflag:s11], $0x80  }
0xb6: {  	[sflag:s11] =	ssyncset.done $0x0  }
0xb7: {  	[sflag:s11] =	ssyncadd.s32 $0xFFFFFF80  }
0xb8: {  	v43 =	vld [tilespmem:$0x0];
	_ =	sdelay $0x3  }
0xb9: {  	v42 =	vld.idx.msk [tilespmem:v0+s25+$0x0], $0xffff  }
0xba: {  	v43 =	vshll.u32 v43, $0x7  }
0xbb: {  	v43 =	vadd.s32 v10, v43;
	_ =	sdelay $0x2  }
0xbc: {  	vm0 =	vlt.s32 v3, v42  }
0xbd: {  	v44 =	vsel vm0, $0x3F800000, v9  }
0xbe: {  	[tilespmem:v43+s26+$0x0] =	vst.idx.msk $0xffff, v44  }
0xbf: {  	v43 =	vld [tilespmem:$0x80];
	_ =	sdelay $0x4  }
0xc0: {  	v43 =	vshll.u32 v43, $0x7  }
0xc1: {  	v43 =	vadd.s32 v11, v43;
	_ =	sdelay $0x4  }
0xc2: {  	[tilespmem:v43+s26+$0x0] =	vst.idx.msk $0xffff, v44  }
0xc3: {  	v43 =	vld [tilespmem:$0x100];
	_ =	sdelay $0x4  }
0xc4: {  	v43 =	vshll.u32 v43, $0x7  }
0xc5: {  	v43 =	vadd.s32 v12, v43;
	_ =	sdelay $0x4  }
0xc6: {  	[tilespmem:v43+s26+$0x0] =	vst.idx.msk $0xffff, v44  }
0xc7: {  	v43 =	vld [tilespmem:$0x180];
	_ =	sdelay $0x4  }
0xc8: {  	v43 =	vshll.u32 v43, $0x7  }
0xc9: {  	v43 =	vadd.s32 v13, v43;
	_ =	sdelay $0x4  }
0xca: {  	[tilespmem:v43+s26+$0x0] =	vst.idx.msk $0xffff, v44  }
0xcb: {  	v43 =	vld [tilespmem:$0x10];
	_ =	sdelay $0x4  }
0xcc: {  	v43 =	vshll.u32 v43, $0x7  }
0xcd: {  	v43 =	vadd.s32 v14, v43;
	_ =	sdelay $0x2  }
0xce: {  	vm9 =	vlt.s32 v1, v42  }
0xcf: {  	v58 =	vsel vm9, $0x3F800000, v9  }
0xd0: {  	[tilespmem:v43+s26+$0x0] =	vst.idx.msk $0xffff, v58  }
0xd1: {  	v43 =	vld [tilespmem:$0x90];
	_ =	sdelay $0x4  }
0xd2: {  	v43 =	vshll.u32 v43, $0x7  }
0xd3: {  	v43 =	vadd.s32 v15, v43;
	_ =	sdelay $0x4  }
0xd4: {  	[tilespmem:v43+s26+$0x0] =	vst.idx.msk $0xffff, v58  }
0xd5: {  	v43 =	vld [tilespmem:$0x110];
	_ =	sdelay $0x4  }
0xd6: {  	v43 =	vshll.u32 v43, $0x7  }
0xd7: {  	v43 =	vadd.s32 v16, v43;
	_ =	sdelay $0x4  }
0xd8: {  	[tilespmem:v43+s26+$0x0] =	vst.idx.msk $0xffff, v58  }
0xd9: {  	v43 =	vld [tilespmem:$0x190];
	_ =	sdelay $0x4  }
0xda: {  	v43 =	vshll.u32 v43, $0x7  }
0xdb: {  	v43 =	vadd.s32 v17, v43;
	_ =	sdelay $0x4  }
0xdc: {  	[tilespmem:v43+s26+$0x0] =	vst.idx.msk $0xffff, v58  }
0xdd: {  	v43 =	vld [tilespmem:$0x20];
	_ =	sdelay $0x4  }
0xde: {  	v43 =	vshll.u32 v43, $0x7  }
0xdf: {  	v43 =	vadd.s32 v18, v43;
	_ =	sdelay $0x2  }
0xe0: {  	vm10 =	vlt.s32 v2, v42  }
0xe1: {  	v59 =	vsel vm10, $0x3F800000, v9  }
0xe2: {  	[tilespmem:v43+s26+$0x0] =	vst.idx.msk $0xffff, v59  }
0xe3: {  	v43 =	vld [tilespmem:$0xA0];
	_ =	sdelay $0x4  }
0xe4: {  	v43 =	vshll.u32 v43, $0x7  }
0xe5: {  	v43 =	vadd.s32 v19, v43;
	_ =	sdelay $0x4  }
0xe6: {  	[tilespmem:v43+s26+$0x0] =	vst.idx.msk $0xffff, v59  }
0xe7: {  	v43 =	vld [tilespmem:$0x120];
	_ =	sdelay $0x4  }
0xe8: {  	v43 =	vshll.u32 v43, $0x7  }
0xe9: {  	v43 =	vadd.s32 v20, v43;
	_ =	sdelay $0x4  }
0xea: {  	[tilespmem:v43+s26+$0x0] =	vst.idx.msk $0xffff, v59  }
0xeb: {  	v43 =	vld [tilespmem:$0x1A0];
	_ =	sdelay $0x4  }
0xec: {  	v43 =	vshll.u32 v43, $0x7  }
0xed: {  	v43 =	vadd.s32 v21, v43;
	_ =	sdelay $0x4  }
0xee: {  	[tilespmem:v43+s26+$0x0] =	vst.idx.msk $0xffff, v59  }
0xef: {  	v43 =	vld [tilespmem:$0x30];
	_ =	sdelay $0x4  }
0xf0: {  	v43 =	vshll.u32 v43, $0x7  }
0xf1: {  	v43 =	vadd.s32 v22, v43;
	_ =	sdelay $0x2  }
0xf2: {  	vm11 =	vlt.s32 v4, v42  }
0xf3: {  	v60 =	vsel vm11, $0x3F800000, v9  }
0xf4: {  	[tilespmem:v43+s26+$0x0] =	vst.idx.msk $0xffff, v60  }
0xf5: {  	v43 =	vld [tilespmem:$0xB0];
	_ =	sdelay $0x4  }
0xf6: {  	v43 =	vshll.u32 v43, $0x7  }
0xf7: {  	v43 =	vadd.s32 v23, v43;
	_ =	sdelay $0x4  }
0xf8: {  	[tilespmem:v43+s26+$0x0] =	vst.idx.msk $0xffff, v60  }
0xf9: {  	v43 =	vld [tilespmem:$0x130];
	_ =	sdelay $0x4  }
0xfa: {  	v43 =	vshll.u32 v43, $0x7  }
0xfb: {  	v43 =	vadd.s32 v24, v43;
	_ =	sdelay $0x4  }
0xfc: {  	[tilespmem:v43+s26+$0x0] =	vst.idx.msk $0xffff, v60  }
0xfd: {  	v43 =	vld [tilespmem:$0x1B0];
	_ =	sdelay $0x4  }
0xfe: {  	v43 =	vshll.u32 v43, $0x7  }
0xff: {  	v43 =	vadd.s32 v25, v43;
	_ =	sdelay $0x4  }
0x100: {  	[tilespmem:v43+s26+$0x0] =	vst.idx.msk $0xffff, v60  }
0x101: {  	v43 =	vld [tilespmem:$0x40];
	_ =	sdelay $0x4  }
0x102: {  	v43 =	vshll.u32 v43, $0x7  }
0x103: {  	v43 =	vadd.s32 v26, v43;
	_ =	sdelay $0x2  }
0x104: {  	vm12 =	vlt.s32 v5, v42  }
0x105: {  	v61 =	vsel vm12, $0x3F800000, v9  }
0x106: {  	[tilespmem:v43+s26+$0x0] =	vst.idx.msk $0xffff, v61  }
0x107: {  	v43 =	vld [tilespmem:$0xC0];
	_ =	sdelay $0x4  }
0x108: {  	v43 =	vshll.u32 v43, $0x7  }
0x109: {  	v43 =	vadd.s32 v27, v43;
	_ =	sdelay $0x4  }
0x10a: {  	[tilespmem:v43+s26+$0x0] =	vst.idx.msk $0xffff, v61  }
0x10b: {  	v43 =	vld [tilespmem:$0x140];
	_ =	sdelay $0x4  }
0x10c: {  	v43 =	vshll.u32 v43, $0x7  }
0x10d: {  	v43 =	vadd.s32 v28, v43;
	_ =	sdelay $0x4  }
0x10e: {  	[tilespmem:v43+s26+$0x0] =	vst.idx.msk $0xffff, v61  }
0x10f: {  	v43 =	vld [tilespmem:$0x1C0];
	_ =	sdelay $0x4  }
0x110: {  	v43 =	vshll.u32 v43, $0x7  }
0x111: {  	v43 =	vadd.s32 v29, v43;
	_ =	sdelay $0x4  }
0x112: {  	[tilespmem:v43+s26+$0x0] =	vst.idx.msk $0xffff, v61  }
0x113: {  	v43 =	vld [tilespmem:$0x50];
	_ =	sdelay $0x4  }
0x114: {  	v43 =	vshll.u32 v43, $0x7  }
0x115: {  	v43 =	vadd.s32 v30, v43;
	_ =	sdelay $0x2  }
0x116: {  	vm13 =	vlt.s32 v6, v42  }
0x117: {  	v62 =	vsel vm13, $0x3F800000, v9  }
0x118: {  	[tilespmem:v43+s26+$0x0] =	vst.idx.msk $0xffff, v62  }
0x119: {  	v43 =	vld [tilespmem:$0xD0];
	_ =	sdelay $0x4  }
0x11a: {  	v43 =	vshll.u32 v43, $0x7  }
0x11b: {  	v43 =	vadd.s32 v31, v43;
	_ =	sdelay $0x4  }
0x11c: {  	[tilespmem:v43+s26+$0x0] =	vst.idx.msk $0xffff, v62  }
0x11d: {  	v43 =	vld [tilespmem:$0x150];
	_ =	sdelay $0x4  }
0x11e: {  	v43 =	vshll.u32 v43, $0x7  }
0x11f: {  	v43 =	vadd.s32 v32, v43;
	_ =	sdelay $0x4  }
0x120: {  	[tilespmem:v43+s26+$0x0] =	vst.idx.msk $0xffff, v62  }
0x121: {  	v43 =	vld [tilespmem:$0x1D0];
	_ =	sdelay $0x4  }
0x122: {  	v43 =	vshll.u32 v43, $0x7  }
0x123: {  	v43 =	vadd.s32 v33, v43;
	_ =	sdelay $0x4  }
0x124: {  	[tilespmem:v43+s26+$0x0] =	vst.idx.msk $0xffff, v62  }
0x125: {  	v43 =	vld [tilespmem:$0x60];
	_ =	sdelay $0x4  }
0x126: {  	v43 =	vshll.u32 v43, $0x7  }
0x127: {  	v43 =	vadd.s32 v34, v43;
	_ =	sdelay $0x2  }
0x128: {  	vm14 =	vlt.s32 v7, v42  }
0x129: {  	v63 =	vsel vm14, $0x3F800000, v9  }
0x12a: {  	[tilespmem:v43+s26+$0x0] =	vst.idx.msk $0xffff, v63  }
0x12b: {  	v43 =	vld [tilespmem:$0xE0];
	_ =	sdelay $0x4  }
0x12c: {  	v43 =	vshll.u32 v43, $0x7  }
0x12d: {  	v43 =	vadd.s32 v35, v43;
	_ =	sdelay $0x4  }
0x12e: {  	[tilespmem:v43+s26+$0x0] =	vst.idx.msk $0xffff, v63  }
0x12f: {  	v43 =	vld [tilespmem:$0x160];
	_ =	sdelay $0x4  }
0x130: {  	v43 =	vshll.u32 v43, $0x7  }
0x131: {  	v43 =	vadd.s32 v36, v43;
	_ =	sdelay $0x4  }
0x132: {  	[tilespmem:v43+s26+$0x0] =	vst.idx.msk $0xffff, v63  }
0x133: {  	v43 =	vld [tilespmem:$0x1E0];
	_ =	sdelay $0x4  }
0x134: {  	v43 =	vshll.u32 v43, $0x7  }
0x135: {  	v43 =	vadd.s32 v37, v43;
	_ =	sdelay $0x4  }
0x136: {  	[tilespmem:v43+s26+$0x0] =	vst.idx.msk $0xffff, v63  }
0x137: {  	v43 =	vld [tilespmem:$0x70];
	_ =	sdelay $0x4  }
0x138: {  	v43 =	vshll.u32 v43, $0x7  }
0x139: {  	v43 =	vadd.s32 v38, v43;
	_ =	sdelay $0x2  }
0x13a: {  	vm15 =	vlt.s32 v8, v42  }
0x13b: {  	v42 =	vsel vm15, $0x3F800000, v9  }
0x13c: {  	[tilespmem:v43+s26+$0x0] =	vst.idx.msk $0xffff, v42  }
0x13d: {  	v43 =	vld [tilespmem:$0xF0];
	_ =	sdelay $0x4  }
0x13e: {  	v43 =	vshll.u32 v43, $0x7  }
0x13f: {  	v43 =	vadd.s32 v39, v43;
	_ =	sdelay $0x4  }
0x140: {  	[tilespmem:v43+s26+$0x0] =	vst.idx.msk $0xffff, v42  }
0x141: {  	v43 =	vld [tilespmem:$0x170];
	_ =	sdelay $0x4  }
0x142: {  	v43 =	vshll.u32 v43, $0x7  }
0x143: {  	v43 =	vadd.s32 v40, v43;
	_ =	sdelay $0x4  }
0x144: {  	[tilespmem:v43+s26+$0x0] =	vst.idx.msk $0xffff, v42  }
0x145: {  	v43 =	vld [tilespmem:$0x1F0];
	_ =	sdelay $0x4  }
0x146: {  	v43 =	vshll.u32 v43, $0x7  }
0x147: {  	v43 =	vadd.s32 v41, v43;
	_ =	sdelay $0x4  }
0x148: {  	[tilespmem:v43+s26+$0x0] =	vst.idx.msk $0xffff, v42  }
0x149: {  	[hbm4b:s12+s22] =	stream.strided.scatter [tilespmem:s26], [sflag:$0x2], $0x780, s28, s22, $0x38;
	[tilespmem:$0x18A80] =	vst v63  }
0x14a: {  	_ =	swait.ge [sflag:s29], $0x8000  }
0x14b: {  	[sflag:s29] =	ssyncset.done $0x0  }
0x14c: {  	[sflag:s29] =	ssyncadd.s32 $0xFFFF8000  }
0x14d: {  	[hbm4b:s13+s3] =	stream.linear.scatter [tilespmem:s19], [sflag:$0x4], $0x8000, $0x38;
	[tilespmem:$0x18A80] =	vst v63  }
0x14e: {  	_ =	swait.ge [sflag:s30], $0x8000  }
0x14f: {  	[sflag:s30] =	ssyncset.done $0x0  }
0x150: {  	[sflag:s30] =	ssyncadd.s32 $0xFFFF8000  }
0x151: {  	[tilespmem:s19], [sflag:$0x3] =	stream.linear.gather [hbm4b:s14+s3], $0x8000, $0x38;
	[tilespmem:$0x18A80] =	vst v63  }
0x152: {  	_ =	swait.ge [sflag:s29], $0x8000  }
0x153: {  	[sflag:s29] =	ssyncset.done $0x0  }
0x154: {  	[sflag:s29] =	ssyncadd.s32 $0xFFFF8000  }
0x155: {  	[hbm4b:s15+s3] =	stream.linear.scatter [tilespmem:s20], [sflag:$0x4], $0x8000, $0x38;
	[tilespmem:$0x18A80] =	vst v63  }
0x156: {  	_ =	swait.ge [sflag:s29], $0x8000  }
0x157: {  	[sflag:s29] =	ssyncset.done $0x0  }
0x158: {  	[sflag:s29] =	ssyncadd.s32 $0xFFFF8000  }
0x159: {  	[hbm4b:s16+s3] =	stream.linear.scatter [tilespmem:s21], [sflag:$0x4], $0x8000, $0x38;
	[tilespmem:$0x18A80] =	vst v63  }
0x15a: {  	_ =	swait.ge [sflag:s29], $0x8000  }
0x15b: {  	[sflag:s29] =	ssyncset.done $0x0  }
0x15c: {  	[sflag:s29] =	ssyncadd.s32 $0xFFFF8000  }
0x15d: {  	[hbm4b:s17+s3] =	stream.linear.scatter [tilespmem:s19], [sflag:$0x4], $0x8000, $0x38;
	[tilespmem:$0x18A80] =	vst v63  }
0x15e: {  	_ =	swait.ge [sflag:s30], $0x8000  }
0x15f: {  	[sflag:s30] =	ssyncset.done $0x0  }
0x160: {  	[sflag:s30] =	ssyncadd.s32 $0xFFFF8000  }
0x161: {  	_ =	swait.ge [sflag:s30], $0x8000  }
0x162: {  	[sflag:s30] =	ssyncset.done $0x0  }
0x163: {  	[sflag:s30] =	ssyncadd.s32 $0xFFFF8000  }
0x164: {  	p0 =	sne.s32 s18, $0x1;
	_ =	swait.ge [sflag:s30], $0x8000  }
.Ltmp0:
0x165: {  	[sflag:s30] =	ssyncset.done $0x0;
	(pc) =	sbr.rel @p0 .LBB2_1-.Ltmp0, $4  }
0x166: {  	[sflag:s30] =	ssyncadd.s32 $0xFFFF8000  }
0x167: {  	_ =	swait.ge [sflag:s31], $0x780  }
0x168: {  	[sflag:s31] =	ssyncset.done $0x0  }
0x169: {  	s18 =	sadd.s32 $0xFFFFFFFF, s18;
	[sflag:s31] =	ssyncadd.s32 $0xFFFFF880  }
0x16a: {  	_ =	sfence.sel $0x180000  }
0x16b: {  	[bflag:$0x0] =	sbarrier.arrive $0xFFFF  }
0x16c: {  	p0 =	sne.s32 s0, $0x0;
	_ =	strace $0x90000047  }
0x16d: {  	s0 =	sadd.s32 @!p0 $0x100000, s2;
	[bflag:$0x2] =	sbarrier.arrive $0xFFFF  }
0x16e: {  	[sflag:s0] =	ssyncadd.tile.s32 @!p0 $0x1;
	_ =	shalt  }
.Lfunc_end2:
_tile_overlayer_lowered:
.L_overlay_start_2:
0x16f: {  	(tag) =	ssettag $0x2  }
0x170: {  	s0 =	rddreg [dreg:$0x0];
	s2 =	stileid.u32  }
0x171: {  	s1 =	rddreg [dreg:$0x1];
	p0 =	sne.s32 s2, $0x0  }
0x172: {  	s3 =	rddreg [dreg:$0x2];
	[bflag:$0x3] =	sbarrier.arrive $0xFFFF;
	s2 =	simm.s32 @!p0 $0x1C05  }
0x173: {  	[timem:s3], [sflag:s2] =	dma.local @!p0 [hbm:s0], s1  }
0x174: {  	s0 =	simm.s32 @!p0 $0x5  }
0x175: {  	_ =	swait.ge @!p0 [sflag:s0], s1  }
0x176: {  	s1 =	ssub.s32 @!p0 $0x0, s1;
	[sflag:s0] =	ssyncset.done @!p0 $0x0  }
0x177: {  	[sflag:s0] =	ssyncadd.s32 @!p0 s1  }
0x178: {  	[bflag:$0x3] =	sbarrier.arrive $0xFFFF  }
0x179: {  	_ =	shalt  }

</sc_bundles>
